<compile_context>
chip_gen: v7x
topology: tpu7x:2x2x1
jax: 0.10.2.dev20260603
libtpu: 0.0.44.dev20260713+nightly
codegen_flags: <defaults>
</compile_context>

<pallas_src>
import functools

import jax
import jax.numpy as jnp
from jax import lax
from jax.experimental import pallas as pl
from jax.experimental.pallas import tpu as pltpu
from jax.experimental.pallas import tpu_sc as plsc

B = 16
T = 16384
D = 128
NR = 5
NW = 32
TH = T // 2
ROWS_PER_W = TH // NW
IDX_CH = 128
N_CH = ROWS_PER_W // IDX_CH
NEG = -3e38

_NT = (((1,), (1,)), ((), ()))
_TN = (((0,), (0,)), ((), ()))


def _sc_gather_qj(users2d, nodes_v, utab, itab):
  mesh = plsc.VectorSubcoreMesh(core_axis_name="c", subcore_axis_name="s")

  @functools.partial(
      pl.kernel,
      mesh=mesh,
      out_type=(
          jax.ShapeDtypeStruct((TH, D), jnp.float32),
          jax.ShapeDtypeStruct((B, D), jnp.float32),
      ),
      scratch_types=[
          pltpu.VMEM((N_CH, IDX_CH), jnp.int32),
          pltpu.VMEM((ROWS_PER_W, D), jnp.float32),
          pltpu.VMEM((B,), jnp.int32),
          pltpu.VMEM((B, D), jnp.float32),
          pltpu.SemaphoreType.DMA,
          pltpu.SemaphoreType.DMA,
      ],
  )
  def k(users_hbm, nodes_hbm, utab_hbm, itab_hbm, pt_hbm, qj_hbm,
        idx_v, rows_v, nidx_v, qrows_v, sem, qsem):
    wid = lax.axis_index("s") * 2 + lax.axis_index("c")
    pltpu.sync_copy(users_hbm.at[pl.ds(wid * N_CH, N_CH)], idx_v)
    copies = [
        pltpu.async_copy(utab_hbm.at[idx_v.at[c]],
                         rows_v.at[pl.ds(c * IDX_CH, IDX_CH)], sem)
        for c in range(N_CH)
    ]

    @pl.when(wid == 0)
    def _():
      pltpu.sync_copy(nodes_hbm, nidx_v)
      pltpu.async_copy(itab_hbm.at[nidx_v], qrows_v, qsem).wait()
      pltpu.sync_copy(qrows_v, qj_hbm)

    for cp in copies:
      cp.wait()
    pltpu.sync_copy(rows_v, pt_hbm.at[pl.ds(wid * ROWS_PER_W, ROWS_PER_W)])

  return k(users2d, nodes_v, utab, itab)


def _sc_gather(users2d, utab, half):
  mesh = plsc.VectorSubcoreMesh(core_axis_name="c", subcore_axis_name="s")
  row0 = half * (TH // IDX_CH)

  @functools.partial(
      pl.kernel,
      mesh=mesh,
      out_type=jax.ShapeDtypeStruct((TH, D), jnp.float32),
      scratch_types=[
          pltpu.VMEM((N_CH, IDX_CH), jnp.int32),
          pltpu.VMEM((ROWS_PER_W, D), jnp.float32),
          pltpu.SemaphoreType.DMA,
      ],
  )
  def k(users_hbm, utab_hbm, pt_hbm, idx_v, rows_v, sem):
    wid = lax.axis_index("s") * 2 + lax.axis_index("c")
    pltpu.sync_copy(users_hbm.at[pl.ds(row0 + wid * N_CH, N_CH)], idx_v)
    copies = [
        pltpu.async_copy(utab_hbm.at[idx_v.at[c]],
                         rows_v.at[pl.ds(c * IDX_CH, IDX_CH)], sem)
        for c in range(N_CH)
    ]
    for cp in copies:
      cp.wait()
    pltpu.sync_copy(rows_v, pt_hbm.at[pl.ds(wid * ROWS_PER_W, ROWS_PER_W)])

  return k(users2d, utab)


def _tc_half_body(final, pt_ref, ratr_ref, segr_ref, qj_ref, r5_ref,
                  g1_ref, g1b_ref, g2_ref, g2b_ref,
                  a1_ref, a1b_ref, a2_ref, a2b_ref,
                  a3_ref, a3b_ref, *rest):
  f32 = jnp.float32
  bf16 = jnp.bfloat16

  r1 = (lax.dot_general(r5_ref[...], g1_ref[:, D:], _NT,
                        preferred_element_type=f32) + g1b_ref[...])
  r1 = jnp.concatenate([r1, jnp.zeros((8 - NR, D), f32)], axis=0).astype(bf16)
  s1 = (lax.dot_general(qj_ref[...], a1_ref[:, D:], _NT,
                        preferred_element_type=f32) + a1b_ref[...]).astype(bf16)

  pt = pt_ref[...].astype(bf16)
  ratr = ratr_ref[0, 0:1, :]
  segr = segr_ref[0, 0:1, :]

  rohT = (lax.broadcasted_iota(jnp.int32, (8, TH), 0) == ratr).astype(bf16)
  sohT = lax.broadcasted_iota(jnp.int32, (B, TH), 0) == segr
  sohTbf = sohT.astype(bf16)

  h = jnp.maximum(
      lax.dot_general(pt, g1_ref[:, :D].astype(bf16), _NT,
                      preferred_element_type=f32)
      + lax.dot_general(rohT, r1, _TN, preferred_element_type=f32),
      0.0).astype(bf16)
  fjt = jnp.maximum(
      lax.dot_general(h, g2_ref[...].astype(bf16), _NT,
                      preferred_element_type=f32)
      + g2b_ref[...], 0.0).astype(bf16)
  a = jnp.maximum(
      lax.dot_general(fjt, a1_ref[:, :D].astype(bf16), _NT,
                      preferred_element_type=f32)
      + lax.dot_general(sohTbf, s1, _TN, preferred_element_type=f32),
      0.0).astype(bf16)
  a = jnp.maximum(
      lax.dot_general(a, a2_ref[...].astype(bf16), _NT,
                      preferred_element_type=f32)
      + a2b_ref[...], 0.0).astype(bf16)
  s_row = lax.dot_general(a3_ref[...].astype(bf16), a, _NT,
                          preferred_element_type=f32) + a3b_ref[0, 0]

  bm = jnp.max(jnp.where(sohT, s_row, NEG), axis=1, keepdims=True)
  m_tok = jnp.max(jnp.where(sohT, bm, NEG), axis=0, keepdims=True)
  e_row = jnp.exp(s_row - m_tok)
  w = jnp.where(sohT, e_row, 0.0)
  d = jnp.sum(w, axis=1, keepdims=True)
  z = jnp.dot(w.astype(bf16), fjt, preferred_element_type=f32)

  if final:
    m0_ref, d0_ref, z0_ref, out_ref = rest
    m0 = m0_ref[...]
    m = jnp.maximum(m0, bm)
    e0 = jnp.exp(m0 - m)
    e1 = jnp.exp(bm - m)
    dd = d0_ref[...] * e0 + d * e1
    zz = z0_ref[...] * e0 + z * e1
    out_ref[...] = zz / jnp.where(dd > 0, dd, 1.0)
  else:
    m_ref, d_ref, z_ref = rest
    m_ref[...] = bm
    d_ref[...] = d
    z_ref[...] = z


def _tc_half(half, pt, rat2, seg2, prev, qj, embed_r_w,
             g1_w, g1_b, g2_w, g2_b, a1_w, a1_b, a2_w, a2_b, a3_w, a3_b):
  final = prev is not None
  full = lambda shape: pl.BlockSpec(shape, lambda i: (0,) * len(shape))
  in_specs = [
      full((TH, D)),
      pl.BlockSpec((1, 1, TH), lambda i: (half, 0, 0)),
      pl.BlockSpec((1, 1, TH), lambda i: (half, 0, 0)),
      full((B, D)),
      full((NR, D)),
      full((D, 2 * D)),
      full((1, D)),
      full((D, D)),
      full((1, D)),
      full((D, 2 * D)),
      full((1, D)),
      full((D, D)),
      full((1, D)),
      full((1, D)),
      full((1, 1)),
  ]
  args = [pt, rat2, seg2, qj, embed_r_w,
          g1_w, g1_b.reshape(1, D), g2_w, g2_b.reshape(1, D),
          a1_w, a1_b.reshape(1, D), a2_w, a2_b.reshape(1, D),
          a3_w, a3_b.reshape(1, 1)]
  if final:
    in_specs += [full((B, 1)), full((B, 1)), full((B, D))]
    args += list(prev)
    out_shape = jax.ShapeDtypeStruct((B, D), jnp.float32)
    out_specs = pl.BlockSpec((B, D), lambda i: (0, 0))
  else:
    out_shape = (
        jax.ShapeDtypeStruct((B, 1), jnp.float32),
        jax.ShapeDtypeStruct((B, 1), jnp.float32),
        jax.ShapeDtypeStruct((B, D), jnp.float32),
    )
    out_specs = (pl.BlockSpec((B, 1), lambda i: (0, 0)),
                 pl.BlockSpec((B, 1), lambda i: (0, 0)),
                 pl.BlockSpec((B, D), lambda i: (0, 0)))
  return pl.pallas_call(
      functools.partial(_tc_half_body, final),
      grid=(1,),
      in_specs=in_specs,
      out_specs=out_specs,
      out_shape=out_shape,
  )(*args)


def kernel(nodes_v, flat_users, flat_ratings, segment_ids, embed_u_w,
           embed_i_w, embed_r_w, g1_w, g1_b, g2_w, g2_b, a1_w, a1_b,
           a2_w, a2_b, a3_w, a3_b):
  users2d = flat_users.reshape(T // IDX_CH, IDX_CH)
  pt0, qj = _sc_gather_qj(users2d, nodes_v, embed_u_w, embed_i_w)
  pt1 = _sc_gather(users2d, embed_u_w, half=1)

  rat2 = flat_ratings.reshape(2, 1, TH)
  seg2 = segment_ids.reshape(2, 1, TH)
  wargs = (qj, embed_r_w, g1_w, g1_b, g2_w, g2_b,
           a1_w, a1_b, a2_w, a2_b, a3_w, a3_b)
  part0 = _tc_half(0, pt0, rat2, seg2, None, *wargs)
  return _tc_half(1, pt1, rat2, seg2, part0, *wargs)

# --- scband reference (transcript-rebuilt; emitter-appended) ---
"""Pipeline reference for scband-item-modeling-11304353923459 (READ-ONLY COPY).

The authoritative reference and input builder live on the scoring server;
editing this copy changes nothing except your own understanding.
"""

import jax, jax.numpy as jnp
import numpy as np

B = 16
T = 16384
D = 128
NU = 100000
NI = 100000
NR = 5


def linear(x, w, b):
    return x @ w.T + b


def setup_inputs(seed: int = 0) -> dict:
    key = jax.random.key(seed)
    ks = jax.random.split(key, 20)
    nodes_v = jax.random.randint(ks[0], (B,), 0, NI, dtype=jnp.int32)
    flat_users = jax.random.randint(ks[1], (T,), 0, NU, dtype=jnp.int32)
    flat_ratings = jax.random.randint(ks[2], (T,), 0, NR, dtype=jnp.int32)
    segment_ids = jnp.sort(jax.random.randint(ks[3], (T,), 0, B, dtype=jnp.int32))
    embed_u_w = jax.random.normal(ks[4], (NU, D), dtype=jnp.float32) * 0.05
    embed_i_w = jax.random.normal(ks[5], (NI, D), dtype=jnp.float32) * 0.05
    embed_r_w = jax.random.normal(ks[6], (NR, D), dtype=jnp.float32) * 0.05
    g1_w = jax.random.normal(ks[7], (D, 2 * D), dtype=jnp.float32) * 0.05
    g1_b = jnp.zeros((D,), dtype=jnp.float32)
    g2_w = jax.random.normal(ks[8], (D, D), dtype=jnp.float32) * 0.05
    g2_b = jnp.zeros((D,), dtype=jnp.float32)
    a1_w = jax.random.normal(ks[9], (D, 2 * D), dtype=jnp.float32) * 0.05
    a1_b = jnp.zeros((D,), dtype=jnp.float32)
    a2_w = jax.random.normal(ks[10], (D, D), dtype=jnp.float32) * 0.05
    a2_b = jnp.zeros((D,), dtype=jnp.float32)
    a3_w = jax.random.normal(ks[11], (1, D), dtype=jnp.float32) * 0.05
    a3_b = jnp.zeros((1,), dtype=jnp.float32)
    return dict(nodes_v=nodes_v, flat_users=flat_users, flat_ratings=flat_ratings,
                segment_ids=segment_ids, embed_u_w=embed_u_w, embed_i_w=embed_i_w,
                embed_r_w=embed_r_w, g1_w=g1_w, g1_b=g1_b, g2_w=g2_w, g2_b=g2_b,
                a1_w=a1_w, a1_b=a1_b, a2_w=a2_w, a2_b=a2_b, a3_w=a3_w, a3_b=a3_b)


def reference(nodes_v, flat_users, flat_ratings, segment_ids, embed_u_w, embed_i_w,
              embed_r_w, g1_w, g1_b, g2_w, g2_b, a1_w, a1_b, a2_w, a2_b, a3_w, a3_b):
    # per-token embeddings (pt = user embed of history neighbor, er = rating embed)
    pt = jnp.take(embed_u_w, flat_users, axis=0)          # [T, D]
    er = jnp.take(embed_r_w, flat_ratings, axis=0)        # [T, D]
    # fjt = gu(cat(pt, er)) : MLP(2D -> D) with two relu layers
    h = jax.nn.relu(linear(jnp.concatenate([pt, er], axis=-1), g1_w, g1_b))
    fjt = jax.nn.relu(linear(h, g2_w, g2_b))              # [T, D]
    # qj = item embedding, broadcast per token via segment_ids (u_rep.repeat)
    qj = jnp.take(embed_i_w, nodes_v, axis=0)             # [B, D]
    pi = jnp.take(qj, segment_ids, axis=0)                # [T, D]
    # attention MLP (dropout is identity in eval mode)
    a = jax.nn.relu(linear(jnp.concatenate([fjt, pi], axis=-1), a1_w, a1_b))
    a = jax.nn.relu(linear(a, a2_w, a2_b))
    s = linear(a, a3_w, a3_b)[:, 0]                       # [T]
    # per-segment softmax (softmax over dim=0 within each history list)
    m = jax.ops.segment_max(s, segment_ids, num_segments=B)
    e = jnp.exp(s - jnp.take(m, segment_ids, axis=0))
    denom = jax.ops.segment_sum(e, segment_ids, num_segments=B)
    alpha = e / jnp.take(denom, segment_ids, axis=0)      # [T]
    # zj = fjt^T @ mu_jt per segment -> weighted sum
    z = jax.ops.segment_sum(fjt * alpha[:, None], segment_ids, num_segments=B)
    return z

if __name__ == "__main__":
    import jax
    _d = setup_inputs()
    print(jax.jit(kernel)(*tuple(_d.values())))

</pallas_src>

<mosaic_0001>
#map = affine_map<(d0, d1) -> (0, 0)>
module attributes {stable_mosaic.version = 14 : i64} {
  func.func @k(%arg0: i32, %arg1: i32, %arg2: memref<128x128xi32, #tpu.memory_space<hbm>>, %arg3: memref<100000x128xf32, #tpu.memory_space<hbm>>, %arg4: memref<8192x128xf32, #tpu.memory_space<hbm>>, %arg5: memref<2x128xi32, #tpu.memory_space<vmem>>, %arg6: memref<256x128xf32, #tpu.memory_space<vmem>>, %arg7: memref<!tpu.dma_semaphore, #tpu.memory_space<semaphore_mem>>) attributes {dimension_semantics = [#tpu.dimension_semantics<core_parallel>, #tpu.dimension_semantics<subcore_parallel>], iteration_bounds = array<i64: 2, 16>, scalar_prefetch = 0 : i64, scratch_operands = 3 : i64, tpu.core_type = #tpu.core_type<sc_vector_subcore>, window_params = [{transform_indices = #map}, {transform_indices = #map}, {transform_indices = #map}]} {
    %mul3A = arith.constant 2 : i32
    %mul3A_0 = arith.muli %arg1, %mul3A : i32
    %add3A = arith.addi %mul3A_0, %arg0 : i32
    %mul3A_1 = arith.constant 2 : i32
    %mul3A_2 = arith.muli %add3A, %mul3A_1 : i32
    %add3A_3 = arith.constant 64 : i32
    %add3A_4 = arith.addi %add3A_3, %mul3A_2 : i32
    "tpu.region"() ({
      %run_scoped3A = tpu.sem_alloc : memref<!tpu.dma_semaphore, #tpu.memory_space<semaphore_mem>>
      %dma_start3A_45 = arith.constant 0 : i32
      %dma_start3A_46 = tpu.memref_slice %arg2[%add3A_4, %dma_start3A_45] : memref<128x128xi32, #tpu.memory_space<hbm>> -> memref<2x128xi32, #tpu.memory_space<hbm>>
      %dma_start3A_47 = arith.constant 0 : i32
      %dma_start3A_48 = tpu.memref_slice %arg2[%add3A_4, %dma_start3A_47] : memref<128x128xi32, #tpu.memory_space<hbm>> -> memref<2x128xi32, #tpu.memory_space<hbm>>
      tpu.enqueue_dma source(%dma_start3A_48 : memref<2x128xi32, #tpu.memory_space<hbm>>) target(%arg5 : memref<2x128xi32, #tpu.memory_space<vmem>>) target_semaphore(%run_scoped3A : memref<!tpu.dma_semaphore, #tpu.memory_space<semaphore_mem>>)
      %dma_wait3A_49 = arith.constant 0 : i32
      %dma_wait3A_50 = tpu.memref_slice %arg2[%add3A_4, %dma_wait3A_49] : memref<128x128xi32, #tpu.memory_space<hbm>> -> memref<2x128xi32, #tpu.memory_space<hbm>>
      %dma_wait3A_51 = arith.constant 0 : i32
      %dma_wait3A_52 = tpu.memref_slice %arg2[%add3A_4, %dma_wait3A_51] : memref<128x128xi32, #tpu.memory_space<hbm>> -> memref<2x128xi32, #tpu.memory_space<hbm>>
      tpu.wait_dma2 semaphore(%run_scoped3A : memref<!tpu.dma_semaphore, #tpu.memory_space<semaphore_mem>>) src(%dma_wait3A_52 : memref<2x128xi32, #tpu.memory_space<hbm>>) dst(%arg5 : memref<2x128xi32, #tpu.memory_space<vmem>>)
      tpu.yield
    }) : () -> ()
    %dma_start3A = arith.constant 0 : i32
    %dma_start3A_5 = arith.constant 0 : i32
    %dma_start3A_6 = arith.constant 0 : i32
    %dma_start3A_7 = tpu.memref_slice %arg6[%dma_start3A_5, %dma_start3A_6] : memref<256x128xf32, #tpu.memory_space<vmem>> -> memref<128x128xf32, #tpu.memory_space<vmem>>
    %dma_start3A_8 = arith.constant 0 : i32
    %dma_start3A_9 = tpu.memref_slice %arg5[%dma_start3A, %dma_start3A_8] : memref<2x128xi32, #tpu.memory_space<vmem>> -> memref<1x128xi32, #tpu.memory_space<vmem>>
    %dma_start3A_10 = tpu.memref_squeeze %dma_start3A_9 : memref<1x128xi32, #tpu.memory_space<vmem>> -> memref<128xi32, #tpu.memory_space<vmem>>
    %dma_start3A_11 = arith.constant 0 : i32
    %dma_start3A_12 = arith.constant 0 : i32
    %dma_start3A_13 = tpu.memref_slice %arg3[%dma_start3A_11, %dma_start3A_12] : memref<100000x128xf32, #tpu.memory_space<hbm>> -> memref<100000x128xf32, #tpu.memory_space<hbm>>
    tpu.enqueue_indirect_dma source(%dma_start3A_13 : memref<100000x128xf32, #tpu.memory_space<hbm>>) target(%dma_start3A_7 : memref<128x128xf32, #tpu.memory_space<vmem>>) offsets(%dma_start3A_10 : memref<128xi32, #tpu.memory_space<vmem>>) semaphore(%arg7 : memref<!tpu.dma_semaphore, #tpu.memory_space<semaphore_mem>>)
    %dma_start3A_14 = arith.constant 1 : i32
    %dma_start3A_15 = arith.constant 128 : i32
    %dma_start3A_16 = arith.constant 0 : i32
    %dma_start3A_17 = tpu.memref_slice %arg6[%dma_start3A_15, %dma_start3A_16] : memref<256x128xf32, #tpu.memory_space<vmem>> -> memref<128x128xf32, #tpu.memory_space<vmem>>
    %dma_start3A_18 = arith.constant 0 : i32
    %dma_start3A_19 = tpu.memref_slice %arg5[%dma_start3A_14, %dma_start3A_18] : memref<2x128xi32, #tpu.memory_space<vmem>> -> memref<1x128xi32, #tpu.memory_space<vmem>>
    %dma_start3A_20 = tpu.memref_squeeze %dma_start3A_19 : memref<1x128xi32, #tpu.memory_space<vmem>> -> memref<128xi32, #tpu.memory_space<vmem>>
    %dma_start3A_21 = arith.constant 0 : i32
    %dma_start3A_22 = arith.constant 0 : i32
    %dma_start3A_23 = tpu.memref_slice %arg3[%dma_start3A_21, %dma_start3A_22] : memref<100000x128xf32, #tpu.memory_space<hbm>> -> memref<100000x128xf32, #tpu.memory_space<hbm>>
    tpu.enqueue_indirect_dma source(%dma_start3A_23 : memref<100000x128xf32, #tpu.memory_space<hbm>>) target(%dma_start3A_17 : memref<128x128xf32, #tpu.memory_space<vmem>>) offsets(%dma_start3A_20 : memref<128xi32, #tpu.memory_space<vmem>>) semaphore(%arg7 : memref<!tpu.dma_semaphore, #tpu.memory_space<semaphore_mem>>)
    %dma_wait3A = arith.constant 0 : i32
    %dma_wait3A_24 = arith.constant 0 : i32
    %dma_wait3A_25 = arith.constant 0 : i32
    %dma_wait3A_26 = tpu.memref_slice %arg6[%dma_wait3A_24, %dma_wait3A_25] : memref<256x128xf32, #tpu.memory_space<vmem>> -> memref<128x128xf32, #tpu.memory_space<vmem>>
    %dma_wait3A_27 = arith.constant 0 : i32
    %dma_wait3A_28 = tpu.memref_slice %arg5[%dma_wait3A, %dma_wait3A_27] : memref<2x128xi32, #tpu.memory_space<vmem>> -> memref<1x128xi32, #tpu.memory_space<vmem>>
    %dma_wait3A_29 = tpu.memref_squeeze %dma_wait3A_28 : memref<1x128xi32, #tpu.memory_space<vmem>> -> memref<128xi32, #tpu.memory_space<vmem>>
    %dma_wait3A_30 = arith.constant 0 : i32
    %dma_wait3A_31 = arith.constant 0 : i32
    %dma_wait3A_32 = tpu.memref_slice %arg3[%dma_wait3A_30, %dma_wait3A_31] : memref<100000x128xf32, #tpu.memory_space<hbm>> -> memref<100000x128xf32, #tpu.memory_space<hbm>>
    tpu.wait_indirect_dma semaphore(%arg7 : memref<!tpu.dma_semaphore, #tpu.memory_space<semaphore_mem>>) src(%dma_wait3A_32 : memref<100000x128xf32, #tpu.memory_space<hbm>>) dst(%dma_wait3A_26 : memref<128x128xf32, #tpu.memory_space<vmem>>)
    %dma_wait3A_33 = arith.constant 1 : i32
    %dma_wait3A_34 = arith.constant 128 : i32
    %dma_wait3A_35 = arith.constant 0 : i32
    %dma_wait3A_36 = tpu.memref_slice %arg6[%dma_wait3A_34, %dma_wait3A_35] : memref<256x128xf32, #tpu.memory_space<vmem>> -> memref<128x128xf32, #tpu.memory_space<vmem>>
    %dma_wait3A_37 = arith.constant 0 : i32
    %dma_wait3A_38 = tpu.memref_slice %arg5[%dma_wait3A_33, %dma_wait3A_37] : memref<2x128xi32, #tpu.memory_space<vmem>> -> memref<1x128xi32, #tpu.memory_space<vmem>>
    %dma_wait3A_39 = tpu.memref_squeeze %dma_wait3A_38 : memref<1x128xi32, #tpu.memory_space<vmem>> -> memref<128xi32, #tpu.memory_space<vmem>>
    %dma_wait3A_40 = arith.constant 0 : i32
    %dma_wait3A_41 = arith.constant 0 : i32
    %dma_wait3A_42 = tpu.memref_slice %arg3[%dma_wait3A_40, %dma_wait3A_41] : memref<100000x128xf32, #tpu.memory_space<hbm>> -> memref<100000x128xf32, #tpu.memory_space<hbm>>
    tpu.wait_indirect_dma semaphore(%arg7 : memref<!tpu.dma_semaphore, #tpu.memory_space<semaphore_mem>>) src(%dma_wait3A_42 : memref<100000x128xf32, #tpu.memory_space<hbm>>) dst(%dma_wait3A_36 : memref<128x128xf32, #tpu.memory_space<vmem>>)
    %mul3A_43 = arith.constant 256 : i32
    %mul3A_44 = arith.muli %add3A, %mul3A_43 : i32
    "tpu.region"() ({
      %run_scoped3A = tpu.sem_alloc : memref<!tpu.dma_semaphore, #tpu.memory_space<semaphore_mem>>
      %dma_start3A_45 = arith.constant 0 : i32
      %dma_start3A_46 = tpu.memref_slice %arg4[%mul3A_44, %dma_start3A_45] : memref<8192x128xf32, #tpu.memory_space<hbm>> -> memref<256x128xf32, #tpu.memory_space<hbm>>
      %dma_start3A_47 = arith.constant 0 : i32
      %dma_start3A_48 = tpu.memref_slice %arg4[%mul3A_44, %dma_start3A_47] : memref<8192x128xf32, #tpu.memory_space<hbm>> -> memref<256x128xf32, #tpu.memory_space<hbm>>
      tpu.enqueue_dma source(%arg6 : memref<256x128xf32, #tpu.memory_space<vmem>>) target(%dma_start3A_48 : memref<256x128xf32, #tpu.memory_space<hbm>>) target_semaphore(%run_scoped3A : memref<!tpu.dma_semaphore, #tpu.memory_space<semaphore_mem>>)
      %dma_wait3A_49 = arith.constant 0 : i32
      %dma_wait3A_50 = tpu.memref_slice %arg4[%mul3A_44, %dma_wait3A_49] : memref<8192x128xf32, #tpu.memory_space<hbm>> -> memref<256x128xf32, #tpu.memory_space<hbm>>
      %dma_wait3A_51 = arith.constant 0 : i32
      %dma_wait3A_52 = tpu.memref_slice %arg4[%mul3A_44, %dma_wait3A_51] : memref<8192x128xf32, #tpu.memory_space<hbm>> -> memref<256x128xf32, #tpu.memory_space<hbm>>
      tpu.wait_dma2 semaphore(%run_scoped3A : memref<!tpu.dma_semaphore, #tpu.memory_space<semaphore_mem>>) src(%arg6 : memref<256x128xf32, #tpu.memory_space<vmem>>) dst(%dma_wait3A_52 : memref<256x128xf32, #tpu.memory_space<hbm>>)
      tpu.yield
    }) : () -> ()
    return
  }
}

#map = affine_map<(d0, d1) -> (0, 0)>
#map1 = affine_map<(d0, d1) -> (0)>
module attributes {stable_mosaic.version = 14 : i64} {
  func.func @k(%arg0: i32, %arg1: i32, %arg2: memref<128x128xi32, #tpu.memory_space<hbm>>, %arg3: memref<16xi32, #tpu.memory_space<hbm>>, %arg4: memref<100000x128xf32, #tpu.memory_space<hbm>>, %arg5: memref<100000x128xf32, #tpu.memory_space<hbm>>, %arg6: memref<8192x128xf32, #tpu.memory_space<hbm>>, %arg7: memref<16x128xf32, #tpu.memory_space<hbm>>, %arg8: memref<2x128xi32, #tpu.memory_space<vmem>>, %arg9: memref<256x128xf32, #tpu.memory_space<vmem>>, %arg10: memref<16xi32, #tpu.memory_space<vmem>>, %arg11: memref<16x128xf32, #tpu.memory_space<vmem>>, %arg12: memref<!tpu.dma_semaphore, #tpu.memory_space<semaphore_mem>>, %arg13: memref<!tpu.dma_semaphore, #tpu.memory_space<semaphore_mem>>) attributes {dimension_semantics = [#tpu.dimension_semantics<core_parallel>, #tpu.dimension_semantics<subcore_parallel>], iteration_bounds = array<i64: 2, 16>, scalar_prefetch = 0 : i64, scratch_operands = 6 : i64, tpu.core_type = #tpu.core_type<sc_vector_subcore>, window_params = [{transform_indices = #map}, {transform_indices = #map1}, {transform_indices = #map}, {transform_indices = #map}, {transform_indices = #map}, {transform_indices = #map}]} {
    %mul3A = arith.constant 2 : i32
    %mul3A_0 = arith.muli %arg1, %mul3A : i32
    %add3A = arith.addi %mul3A_0, %arg0 : i32
    %mul3A_1 = arith.constant 2 : i32
    %mul3A_2 = arith.muli %add3A, %mul3A_1 : i32
    "tpu.region"() ({
      %run_scoped3A = tpu.sem_alloc : memref<!tpu.dma_semaphore, #tpu.memory_space<semaphore_mem>>
      %dma_start3A_45 = arith.constant 0 : i32
      %dma_start3A_46 = tpu.memref_slice %arg2[%mul3A_2, %dma_start3A_45] : memref<128x128xi32, #tpu.memory_space<hbm>> -> memref<2x128xi32, #tpu.memory_space<hbm>>
      %dma_start3A_47 = arith.constant 0 : i32
      %dma_start3A_48 = tpu.memref_slice %arg2[%mul3A_2, %dma_start3A_47] : memref<128x128xi32, #tpu.memory_space<hbm>> -> memref<2x128xi32, #tpu.memory_space<hbm>>
      tpu.enqueue_dma source(%dma_start3A_48 : memref<2x128xi32, #tpu.memory_space<hbm>>) target(%arg8 : memref<2x128xi32, #tpu.memory_space<vmem>>) target_semaphore(%run_scoped3A : memref<!tpu.dma_semaphore, #tpu.memory_space<semaphore_mem>>)
      %dma_wait3A_49 = arith.constant 0 : i32
      %dma_wait3A_50 = tpu.memref_slice %arg2[%mul3A_2, %dma_wait3A_49] : memref<128x128xi32, #tpu.memory_space<hbm>> -> memref<2x128xi32, #tpu.memory_space<hbm>>
      %dma_wait3A_51 = arith.constant 0 : i32
      %dma_wait3A_52 = tpu.memref_slice %arg2[%mul3A_2, %dma_wait3A_51] : memref<128x128xi32, #tpu.memory_space<hbm>> -> memref<2x128xi32, #tpu.memory_space<hbm>>
      tpu.wait_dma2 semaphore(%run_scoped3A : memref<!tpu.dma_semaphore, #tpu.memory_space<semaphore_mem>>) src(%dma_wait3A_52 : memref<2x128xi32, #tpu.memory_space<hbm>>) dst(%arg8 : memref<2x128xi32, #tpu.memory_space<vmem>>)
      tpu.yield
    }) : () -> ()
    %dma_start3A = arith.constant 0 : i32
    %dma_start3A_3 = arith.constant 0 : i32
    %dma_start3A_4 = arith.constant 0 : i32
    %dma_start3A_5 = tpu.memref_slice %arg9[%dma_start3A_3, %dma_start3A_4] : memref<256x128xf32, #tpu.memory_space<vmem>> -> memref<128x128xf32, #tpu.memory_space<vmem>>
    %dma_start3A_6 = arith.constant 0 : i32
    %dma_start3A_7 = tpu.memref_slice %arg8[%dma_start3A, %dma_start3A_6] : memref<2x128xi32, #tpu.memory_space<vmem>> -> memref<1x128xi32, #tpu.memory_space<vmem>>
    %dma_start3A_8 = tpu.memref_squeeze %dma_start3A_7 : memref<1x128xi32, #tpu.memory_space<vmem>> -> memref<128xi32, #tpu.memory_space<vmem>>
    %dma_start3A_9 = arith.constant 0 : i32
    %dma_start3A_10 = arith.constant 0 : i32
    %dma_start3A_11 = tpu.memref_slice %arg4[%dma_start3A_9, %dma_start3A_10] : memref<100000x128xf32, #tpu.memory_space<hbm>> -> memref<100000x128xf32, #tpu.memory_space<hbm>>
    tpu.enqueue_indirect_dma source(%dma_start3A_11 : memref<100000x128xf32, #tpu.memory_space<hbm>>) target(%dma_start3A_5 : memref<128x128xf32, #tpu.memory_space<vmem>>) offsets(%dma_start3A_8 : memref<128xi32, #tpu.memory_space<vmem>>) semaphore(%arg12 : memref<!tpu.dma_semaphore, #tpu.memory_space<semaphore_mem>>)
    %dma_start3A_12 = arith.constant 1 : i32
    %dma_start3A_13 = arith.constant 128 : i32
    %dma_start3A_14 = arith.constant 0 : i32
    %dma_start3A_15 = tpu.memref_slice %arg9[%dma_start3A_13, %dma_start3A_14] : memref<256x128xf32, #tpu.memory_space<vmem>> -> memref<128x128xf32, #tpu.memory_space<vmem>>
    %dma_start3A_16 = arith.constant 0 : i32
    %dma_start3A_17 = tpu.memref_slice %arg8[%dma_start3A_12, %dma_start3A_16] : memref<2x128xi32, #tpu.memory_space<vmem>> -> memref<1x128xi32, #tpu.memory_space<vmem>>
    %dma_start3A_18 = tpu.memref_squeeze %dma_start3A_17 : memref<1x128xi32, #tpu.memory_space<vmem>> -> memref<128xi32, #tpu.memory_space<vmem>>
    %dma_start3A_19 = arith.constant 0 : i32
    %dma_start3A_20 = arith.constant 0 : i32
    %dma_start3A_21 = tpu.memref_slice %arg4[%dma_start3A_19, %dma_start3A_20] : memref<100000x128xf32, #tpu.memory_space<hbm>> -> memref<100000x128xf32, #tpu.memory_space<hbm>>
    tpu.enqueue_indirect_dma source(%dma_start3A_21 : memref<100000x128xf32, #tpu.memory_space<hbm>>) target(%dma_start3A_15 : memref<128x128xf32, #tpu.memory_space<vmem>>) offsets(%dma_start3A_18 : memref<128xi32, #tpu.memory_space<vmem>>) semaphore(%arg12 : memref<!tpu.dma_semaphore, #tpu.memory_space<semaphore_mem>>)
    %eq3A = arith.constant 0 : i32
    %eq3A_22 = arith.cmpi eq, %add3A, %eq3A : i32
    %convert_element_type3A = arith.extui %eq3A_22 : i1 to i32
    %cond3A = arith.constant 0 : i32
    %cond3A_23 = arith.cmpi ne, %convert_element_type3A, %cond3A : i32
    scf.if %cond3A_23 {
      "tpu.region"() ({
        %run_scoped3A = tpu.sem_alloc : memref<!tpu.dma_semaphore, #tpu.memory_space<semaphore_mem>>
        tpu.enqueue_dma source(%arg3 : memref<16xi32, #tpu.memory_space<hbm>>) target(%arg10 : memref<16xi32, #tpu.memory_space<vmem>>) target_semaphore(%run_scoped3A : memref<!tpu.dma_semaphore, #tpu.memory_space<semaphore_mem>>)
        tpu.wait_dma2 semaphore(%run_scoped3A : memref<!tpu.dma_semaphore, #tpu.memory_space<semaphore_mem>>) src(%arg3 : memref<16xi32, #tpu.memory_space<hbm>>) dst(%arg10 : memref<16xi32, #tpu.memory_space<vmem>>)
        tpu.yield
      }) : () -> ()
      %dma_start3A_45 = arith.constant 0 : i32
      %dma_start3A_46 = arith.constant 0 : i32
      %dma_start3A_47 = tpu.memref_slice %arg5[%dma_start3A_45, %dma_start3A_46] : memref<100000x128xf32, #tpu.memory_space<hbm>> -> memref<100000x128xf32, #tpu.memory_space<hbm>>
      tpu.enqueue_indirect_dma source(%dma_start3A_47 : memref<100000x128xf32, #tpu.memory_space<hbm>>) target(%arg11 : memref<16x128xf32, #tpu.memory_space<vmem>>) offsets(%arg10 : memref<16xi32, #tpu.memory_space<vmem>>) semaphore(%arg13 : memref<!tpu.dma_semaphore, #tpu.memory_space<semaphore_mem>>)
      %dma_wait3A_48 = arith.constant 0 : i32
      %dma_wait3A_49 = arith.constant 0 : i32
      %dma_wait3A_50 = tpu.memref_slice %arg5[%dma_wait3A_48, %dma_wait3A_49] : memref<100000x128xf32, #tpu.memory_space<hbm>> -> memref<100000x128xf32, #tpu.memory_space<hbm>>
      tpu.wait_indirect_dma semaphore(%arg13 : memref<!tpu.dma_semaphore, #tpu.memory_space<semaphore_mem>>) src(%dma_wait3A_50 : memref<100000x128xf32, #tpu.memory_space<hbm>>) dst(%arg11 : memref<16x128xf32, #tpu.memory_space<vmem>>)
      "tpu.region"() ({
        %run_scoped3A = tpu.sem_alloc : memref<!tpu.dma_semaphore, #tpu.memory_space<semaphore_mem>>
        tpu.enqueue_dma source(%arg11 : memref<16x128xf32, #tpu.memory_space<vmem>>) target(%arg7 : memref<16x128xf32, #tpu.memory_space<hbm>>) target_semaphore(%run_scoped3A : memref<!tpu.dma_semaphore, #tpu.memory_space<semaphore_mem>>)
        tpu.wait_dma2 semaphore(%run_scoped3A : memref<!tpu.dma_semaphore, #tpu.memory_space<semaphore_mem>>) src(%arg11 : memref<16x128xf32, #tpu.memory_space<vmem>>) dst(%arg7 : memref<16x128xf32, #tpu.memory_space<hbm>>)
        tpu.yield
      }) : () -> ()
    } else {
    }
    %dma_wait3A = arith.constant 0 : i32
    %dma_wait3A_24 = arith.constant 0 : i32
    %dma_wait3A_25 = arith.constant 0 : i32
    %dma_wait3A_26 = tpu.memref_slice %arg9[%dma_wait3A_24, %dma_wait3A_25] : memref<256x128xf32, #tpu.memory_space<vmem>> -> memref<128x128xf32, #tpu.memory_space<vmem>>
    %dma_wait3A_27 = arith.constant 0 : i32
    %dma_wait3A_28 = tpu.memref_slice %arg8[%dma_wait3A, %dma_wait3A_27] : memref<2x128xi32, #tpu.memory_space<vmem>> -> memref<1x128xi32, #tpu.memory_space<vmem>>
    %dma_wait3A_29 = tpu.memref_squeeze %dma_wait3A_28 : memref<1x128xi32, #tpu.memory_space<vmem>> -> memref<128xi32, #tpu.memory_space<vmem>>
    %dma_wait3A_30 = arith.constant 0 : i32
    %dma_wait3A_31 = arith.constant 0 : i32
    %dma_wait3A_32 = tpu.memref_slice %arg4[%dma_wait3A_30, %dma_wait3A_31] : memref<100000x128xf32, #tpu.memory_space<hbm>> -> memref<100000x128xf32, #tpu.memory_space<hbm>>
    tpu.wait_indirect_dma semaphore(%arg12 : memref<!tpu.dma_semaphore, #tpu.memory_space<semaphore_mem>>) src(%dma_wait3A_32 : memref<100000x128xf32, #tpu.memory_space<hbm>>) dst(%dma_wait3A_26 : memref<128x128xf32, #tpu.memory_space<vmem>>)
    %dma_wait3A_33 = arith.constant 1 : i32
    %dma_wait3A_34 = arith.constant 128 : i32
    %dma_wait3A_35 = arith.constant 0 : i32
    %dma_wait3A_36 = tpu.memref_slice %arg9[%dma_wait3A_34, %dma_wait3A_35] : memref<256x128xf32, #tpu.memory_space<vmem>> -> memref<128x128xf32, #tpu.memory_space<vmem>>
    %dma_wait3A_37 = arith.constant 0 : i32
    %dma_wait3A_38 = tpu.memref_slice %arg8[%dma_wait3A_33, %dma_wait3A_37] : memref<2x128xi32, #tpu.memory_space<vmem>> -> memref<1x128xi32, #tpu.memory_space<vmem>>
    %dma_wait3A_39 = tpu.memref_squeeze %dma_wait3A_38 : memref<1x128xi32, #tpu.memory_space<vmem>> -> memref<128xi32, #tpu.memory_space<vmem>>
    %dma_wait3A_40 = arith.constant 0 : i32
    %dma_wait3A_41 = arith.constant 0 : i32
    %dma_wait3A_42 = tpu.memref_slice %arg4[%dma_wait3A_40, %dma_wait3A_41] : memref<100000x128xf32, #tpu.memory_space<hbm>> -> memref<100000x128xf32, #tpu.memory_space<hbm>>
    tpu.wait_indirect_dma semaphore(%arg12 : memref<!tpu.dma_semaphore, #tpu.memory_space<semaphore_mem>>) src(%dma_wait3A_42 : memref<100000x128xf32, #tpu.memory_space<hbm>>) dst(%dma_wait3A_36 : memref<128x128xf32, #tpu.memory_space<vmem>>)
    %mul3A_43 = arith.constant 256 : i32
    %mul3A_44 = arith.muli %add3A, %mul3A_43 : i32
    "tpu.region"() ({
      %run_scoped3A = tpu.sem_alloc : memref<!tpu.dma_semaphore, #tpu.memory_space<semaphore_mem>>
      %dma_start3A_45 = arith.constant 0 : i32
      %dma_start3A_46 = tpu.memref_slice %arg6[%mul3A_44, %dma_start3A_45] : memref<8192x128xf32, #tpu.memory_space<hbm>> -> memref<256x128xf32, #tpu.memory_space<hbm>>
      %dma_start3A_47 = arith.constant 0 : i32
      %dma_start3A_48 = tpu.memref_slice %arg6[%mul3A_44, %dma_start3A_47] : memref<8192x128xf32, #tpu.memory_space<hbm>> -> memref<256x128xf32, #tpu.memory_space<hbm>>
      tpu.enqueue_dma source(%arg9 : memref<256x128xf32, #tpu.memory_space<vmem>>) target(%dma_start3A_48 : memref<256x128xf32, #tpu.memory_space<hbm>>) target_semaphore(%run_scoped3A : memref<!tpu.dma_semaphore, #tpu.memory_space<semaphore_mem>>)
      %dma_wait3A_49 = arith.constant 0 : i32
      %dma_wait3A_50 = tpu.memref_slice %arg6[%mul3A_44, %dma_wait3A_49] : memref<8192x128xf32, #tpu.memory_space<hbm>> -> memref<256x128xf32, #tpu.memory_space<hbm>>
      %dma_wait3A_51 = arith.constant 0 : i32
      %dma_wait3A_52 = tpu.memref_slice %arg6[%mul3A_44, %dma_wait3A_51] : memref<8192x128xf32, #tpu.memory_space<hbm>> -> memref<256x128xf32, #tpu.memory_space<hbm>>
      tpu.wait_dma2 semaphore(%run_scoped3A : memref<!tpu.dma_semaphore, #tpu.memory_space<semaphore_mem>>) src(%arg9 : memref<256x128xf32, #tpu.memory_space<vmem>>) dst(%dma_wait3A_52 : memref<256x128xf32, #tpu.memory_space<hbm>>)
      tpu.yield
    }) : () -> ()
    return
  }
}

module attributes {stable_mosaic.version = 14 : i64} {
  func.func @_tc_half_body(%arg0: i32, %arg1: memref<8192x128xf32, #tpu.memory_space<vmem>>, %arg2: memref<1x1x8192xi32, #tpu.memory_space<vmem>>, %arg3: memref<1x1x8192xi32, #tpu.memory_space<vmem>>, %arg4: memref<16x128xf32, #tpu.memory_space<vmem>>, %arg5: memref<5x128xf32, #tpu.memory_space<vmem>>, %arg6: memref<128x256xf32, #tpu.memory_space<vmem>>, %arg7: memref<1x128xf32, #tpu.memory_space<vmem>>, %arg8: memref<128x128xf32, #tpu.memory_space<vmem>>, %arg9: memref<1x128xf32, #tpu.memory_space<vmem>>, %arg10: memref<128x256xf32, #tpu.memory_space<vmem>>, %arg11: memref<1x128xf32, #tpu.memory_space<vmem>>, %arg12: memref<128x128xf32, #tpu.memory_space<vmem>>, %arg13: memref<1x128xf32, #tpu.memory_space<vmem>>, %arg14: memref<1x128xf32, #tpu.memory_space<vmem>>, %arg15: memref<1x1xf32, #tpu.memory_space<vmem>>, %arg16: memref<16x1xf32, #tpu.memory_space<vmem>>, %arg17: memref<16x1xf32, #tpu.memory_space<vmem>>, %arg18: memref<16x128xf32, #tpu.memory_space<vmem>>) attributes {dimension_semantics = [#tpu.dimension_semantics<arbitrary>], iteration_bounds = array<i64: 1>, scalar_prefetch = 0 : i64, scratch_operands = 0 : i64, tpu.core_type = #tpu.core_type<tc>, window_params = [{pipeline_mode = #tpu.pipeline_mode<synchronous>, transform_indices = @transform_0, window_bounds = array<i64: 8192, 128>}, {transform_indices = @transform_1, window_bounds = array<i64: 1, 1, 8192>}, {transform_indices = @transform_2, window_bounds = array<i64: 1, 1, 8192>}, {pipeline_mode = #tpu.pipeline_mode<synchronous>, transform_indices = @transform_3, window_bounds = array<i64: 16, 128>}, {pipeline_mode = #tpu.pipeline_mode<synchronous>, transform_indices = @transform_4, window_bounds = array<i64: 5, 128>}, {pipeline_mode = #tpu.pipeline_mode<synchronous>, transform_indices = @transform_5, window_bounds = array<i64: 128, 256>}, {pipeline_mode = #tpu.pipeline_mode<synchronous>, transform_indices = @transform_6, window_bounds = array<i64: 1, 128>}, {pipeline_mode = #tpu.pipeline_mode<synchronous>, transform_indices = @transform_7, window_bounds = array<i64: 128, 128>}, {pipeline_mode = #tpu.pipeline_mode<synchronous>, transform_indices = @transform_8, window_bounds = array<i64: 1, 128>}, {pipeline_mode = #tpu.pipeline_mode<synchronous>, transform_indices = @transform_9, window_bounds = array<i64: 128, 256>}, {pipeline_mode = #tpu.pipeline_mode<synchronous>, transform_indices = @transform_10, window_bounds = array<i64: 1, 128>}, {pipeline_mode = #tpu.pipeline_mode<synchronous>, transform_indices = @transform_11, window_bounds = array<i64: 128, 128>}, {pipeline_mode = #tpu.pipeline_mode<synchronous>, transform_indices = @transform_12, window_bounds = array<i64: 1, 128>}, {pipeline_mode = #tpu.pipeline_mode<synchronous>, transform_indices = @transform_13, window_bounds = array<i64: 1, 128>}, {pipeline_mode = #tpu.pipeline_mode<synchronous>, transform_indices = @transform_14, window_bounds = array<i64: 1, 1>}, {pipeline_mode = #tpu.pipeline_mode<synchronous>, transform_indices = @transform_15, window_bounds = array<i64: 16, 1>}, {pipeline_mode = #tpu.pipeline_mode<synchronous>, transform_indices = @transform_16, window_bounds = array<i64: 16, 1>}, {pipeline_mode = #tpu.pipeline_mode<synchronous>, transform_indices = @transform_17, window_bounds = array<i64: 16, 128>}]} {
    %get3A = arith.constant 0 : index
    %get3A_0 = arith.constant 0 : index
    %get3A_1 = vector.load %arg5[%get3A, %get3A_0] : memref<5x128xf32, #tpu.memory_space<vmem>>, vector<5x128xf32>
    %get3A_2 = arith.constant 0 : index
    %get3A_3 = arith.constant 128 : index
    %get3A_4 = vector.load %arg6[%get3A_2, %get3A_3] : memref<128x256xf32, #tpu.memory_space<vmem>>, vector<128x128xf32>
    %dot_general3A = arith.constant dense<0.000000e+00> : vector<5x128xf32>
    %dot_general3A_5 = tpu.matmul %get3A_1, %get3A_4, %dot_general3A {dimension_numbers = #tpu.dot_dimension_numbers<[1], [1], [0], [0], [0, 0, 1, 0], [], []>, transpose_lhs_hint = false} : vector<5x128xf32>, vector<128x128xf32>, vector<5x128xf32> -> vector<5x128xf32>
    %get3A_6 = arith.constant 0 : index
    %get3A_7 = arith.constant 0 : index
    %get3A_8 = vector.load %arg7[%get3A_6, %get3A_7] : memref<1x128xf32, #tpu.memory_space<vmem>>, vector<1x128xf32>
    %add3A = vector.broadcast %get3A_8 : vector<1x128xf32> to vector<5x128xf32>
    %add3A_9 = arith.addf %dot_general3A_5, %add3A : vector<5x128xf32>
    %broadcast_in_dim3A = arith.constant 0.000000e+00 : f32
    %broadcast_in_dim3A_10 = vector.broadcast %broadcast_in_dim3A : f32 to vector<3x128xf32>
    %concatenate3A = tpu.concatenate %add3A_9, %broadcast_in_dim3A_10 in 0 : vector<5x128xf32>, vector<3x128xf32> -> vector<8x128xf32>
    %convert_element_type3A = arith.truncf %concatenate3A : vector<8x128xf32> to vector<8x128xbf16>
    %get3A_11 = arith.constant 0 : index
    %get3A_12 = arith.constant 0 : index
    %get3A_13 = vector.load %arg4[%get3A_11, %get3A_12] : memref<16x128xf32, #tpu.memory_space<vmem>>, vector<16x128xf32>
    %get3A_14 = arith.constant 0 : index
    %get3A_15 = arith.constant 128 : index
    %get3A_16 = vector.load %arg10[%get3A_14, %get3A_15] : memref<128x256xf32, #tpu.memory_space<vmem>>, vector<128x128xf32>
    %dot_general3A_17 = arith.constant dense<0.000000e+00> : vector<16x128xf32>
    %dot_general3A_18 = tpu.matmul %get3A_13, %get3A_16, %dot_general3A_17 {dimension_numbers = #tpu.dot_dimension_numbers<[1], [1], [0], [0], [0, 0, 1, 0], [], []>, transpose_lhs_hint = false} : vector<16x128xf32>, vector<128x128xf32>, vector<16x128xf32> -> vector<16x128xf32>
    %get3A_19 = arith.constant 0 : index
    %get3A_20 = arith.constant 0 : index
    %get3A_21 = vector.load %arg11[%get3A_19, %get3A_20] : memref<1x128xf32, #tpu.memory_space<vmem>>, vector<1x128xf32>
    %add3A_22 = vector.broadcast %get3A_21 : vector<1x128xf32> to vector<16x128xf32>
    %add3A_23 = arith.addf %dot_general3A_18, %add3A_22 : vector<16x128xf32>
    %convert_element_type3A_24 = arith.truncf %add3A_23 : vector<16x128xf32> to vector<16x128xbf16>
    %get3A_25 = arith.constant 0 : index
    %get3A_26 = arith.constant 0 : index
    %get3A_27 = vector.load %arg1[%get3A_25, %get3A_26] : memref<8192x128xf32, #tpu.memory_space<vmem>>, vector<8192x128xf32>
    %convert_element_type3A_28 = arith.truncf %get3A_27 : vector<8192x128xf32> to vector<8192x128xbf16>
    %get3A_29 = arith.constant 0 : index
    %get3A_30 = arith.constant 0 : index
    %get3A_31 = arith.constant 0 : index
    %get3A_32 = vector.load %arg2[%get3A_29, %get3A_30, %get3A_31] : memref<1x1x8192xi32, #tpu.memory_space<vmem>>, vector<1x1x8192xi32>
    %get3A_33 = vector.shape_cast %get3A_32 : vector<1x1x8192xi32> to vector<1x8192xi32>
    %get3A_34 = arith.constant 0 : index
    %get3A_35 = arith.constant 0 : index
    %get3A_36 = arith.constant 0 : index
    %get3A_37 = vector.load %arg3[%get3A_34, %get3A_35, %get3A_36] : memref<1x1x8192xi32, #tpu.memory_space<vmem>>, vector<1x1x8192xi32>
    %get3A_38 = vector.shape_cast %get3A_37 : vector<1x1x8192xi32> to vector<1x8192xi32>
    %iota3A = tpu.iota {dimensions = array<i32: 0>} : vector<8x8192xi32>
    %eq3A = vector.broadcast %get3A_33 : vector<1x8192xi32> to vector<8x8192xi32>
    %eq3A_39 = arith.cmpi eq, %iota3A, %eq3A : vector<8x8192xi32>
    %convert_element_type3A_40 = arith.extui %eq3A_39 : vector<8x8192xi1> to vector<8x8192xi32>
    %convert_element_type3A_41 = arith.sitofp %convert_element_type3A_40 : vector<8x8192xi32> to vector<8x8192xf32>
    %convert_element_type3A_42 = arith.truncf %convert_element_type3A_41 : vector<8x8192xf32> to vector<8x8192xbf16>
    %iota3A_43 = tpu.iota {dimensions = array<i32: 0>} : vector<16x8192xi32>
    %eq3A_44 = vector.broadcast %get3A_38 : vector<1x8192xi32> to vector<16x8192xi32>
    %eq3A_45 = arith.cmpi eq, %iota3A_43, %eq3A_44 : vector<16x8192xi32>
    %convert_element_type3A_46 = arith.extui %eq3A_45 : vector<16x8192xi1> to vector<16x8192xi32>
    %convert_element_type3A_47 = arith.sitofp %convert_element_type3A_46 : vector<16x8192xi32> to vector<16x8192xf32>
    %convert_element_type3A_48 = arith.truncf %convert_element_type3A_47 : vector<16x8192xf32> to vector<16x8192xbf16>
    %get3A_49 = arith.constant 0 : index
    %get3A_50 = arith.constant 0 : index
    %get3A_51 = vector.load %arg6[%get3A_49, %get3A_50] : memref<128x256xf32, #tpu.memory_space<vmem>>, vector<128x128xf32>
    %convert_element_type3A_52 = arith.truncf %get3A_51 : vector<128x128xf32> to vector<128x128xbf16>
    %dot_general3A_53 = arith.constant dense<0.000000e+00> : vector<8192x128xf32>
    %dot_general3A_54 = tpu.matmul %convert_element_type3A_28, %convert_element_type3A_52, %dot_general3A_53 {dimension_numbers = #tpu.dot_dimension_numbers<[1], [1], [0], [0], [0, 0, 1, 0], [], []>, transpose_lhs_hint = false} : vector<8192x128xbf16>, vector<128x128xbf16>, vector<8192x128xf32> -> vector<8192x128xf32>
    %dot_general3A_55 = arith.constant dense<0.000000e+00> : vector<8192x128xf32>
    %dot_general3A_56 = tpu.matmul %convert_element_type3A_42, %convert_element_type3A, %dot_general3A_55 {dimension_numbers = #tpu.dot_dimension_numbers<[0], [0], [1], [1], [0, 1, 1, 1], [], []>, transpose_lhs_hint = false} : vector<8x8192xbf16>, vector<8x128xbf16>, vector<8192x128xf32> -> vector<8192x128xf32>
    %add3A_57 = arith.addf %dot_general3A_54, %dot_general3A_56 : vector<8192x128xf32>
    %max3A = arith.constant 0.000000e+00 : f32
    %max3A_58 = vector.broadcast %max3A : f32 to vector<8192x128xf32>
    %max3A_59 = arith.maximumf %add3A_57, %max3A_58 : vector<8192x128xf32>
    %convert_element_type3A_60 = arith.truncf %max3A_59 : vector<8192x128xf32> to vector<8192x128xbf16>
    %get3A_61 = arith.constant 0 : index
    %get3A_62 = arith.constant 0 : index
    %get3A_63 = vector.load %arg8[%get3A_61, %get3A_62] : memref<128x128xf32, #tpu.memory_space<vmem>>, vector<128x128xf32>
    %convert_element_type3A_64 = arith.truncf %get3A_63 : vector<128x128xf32> to vector<128x128xbf16>
    %dot_general3A_65 = arith.constant dense<0.000000e+00> : vector<8192x128xf32>
    %dot_general3A_66 = tpu.matmul %convert_element_type3A_60, %convert_element_type3A_64, %dot_general3A_65 {dimension_numbers = #tpu.dot_dimension_numbers<[1], [1], [0], [0], [0, 0, 1, 0], [], []>, transpose_lhs_hint = false} : vector<8192x128xbf16>, vector<128x128xbf16>, vector<8192x128xf32> -> vector<8192x128xf32>
    %get3A_67 = arith.constant 0 : index
    %get3A_68 = arith.constant 0 : index
    %get3A_69 = vector.load %arg9[%get3A_67, %get3A_68] : memref<1x128xf32, #tpu.memory_space<vmem>>, vector<1x128xf32>
    %add3A_70 = vector.broadcast %get3A_69 : vector<1x128xf32> to vector<8192x128xf32>
    %add3A_71 = arith.addf %dot_general3A_66, %add3A_70 : vector<8192x128xf32>
    %max3A_72 = arith.constant 0.000000e+00 : f32
    %max3A_73 = vector.broadcast %max3A_72 : f32 to vector<8192x128xf32>
    %max3A_74 = arith.maximumf %add3A_71, %max3A_73 : vector<8192x128xf32>
    %convert_element_type3A_75 = arith.truncf %max3A_74 : vector<8192x128xf32> to vector<8192x128xbf16>
    %get3A_76 = arith.constant 0 : index
    %get3A_77 = arith.constant 0 : index
    %get3A_78 = vector.load %arg10[%get3A_76, %get3A_77] : memref<128x256xf32, #tpu.memory_space<vmem>>, vector<128x128xf32>
    %convert_element_type3A_79 = arith.truncf %get3A_78 : vector<128x128xf32> to vector<128x128xbf16>
    %dot_general3A_80 = arith.constant dense<0.000000e+00> : vector<8192x128xf32>
    %dot_general3A_81 = tpu.matmul %convert_element_type3A_75, %convert_element_type3A_79, %dot_general3A_80 {dimension_numbers = #tpu.dot_dimension_numbers<[1], [1], [0], [0], [0, 0, 1, 0], [], []>, transpose_lhs_hint = false} : vector<8192x128xbf16>, vector<128x128xbf16>, vector<8192x128xf32> -> vector<8192x128xf32>
    %dot_general3A_82 = arith.constant dense<0.000000e+00> : vector<8192x128xf32>
    %dot_general3A_83 = tpu.matmul %convert_element_type3A_48, %convert_element_type3A_24, %dot_general3A_82 {dimension_numbers = #tpu.dot_dimension_numbers<[0], [0], [1], [1], [0, 1, 1, 1], [], []>, transpose_lhs_hint = false} : vector<16x8192xbf16>, vector<16x128xbf16>, vector<8192x128xf32> -> vector<8192x128xf32>
    %add3A_84 = arith.addf %dot_general3A_81, %dot_general3A_83 : vector<8192x128xf32>
    %max3A_85 = arith.constant 0.000000e+00 : f32
    %max3A_86 = vector.broadcast %max3A_85 : f32 to vector<8192x128xf32>
    %max3A_87 = arith.maximumf %add3A_84, %max3A_86 : vector<8192x128xf32>
    %convert_element_type3A_88 = arith.truncf %max3A_87 : vector<8192x128xf32> to vector<8192x128xbf16>
    %get3A_89 = arith.constant 0 : index
    %get3A_90 = arith.constant 0 : index
    %get3A_91 = vector.load %arg12[%get3A_89, %get3A_90] : memref<128x128xf32, #tpu.memory_space<vmem>>, vector<128x128xf32>
    %convert_element_type3A_92 = arith.truncf %get3A_91 : vector<128x128xf32> to vector<128x128xbf16>
    %dot_general3A_93 = arith.constant dense<0.000000e+00> : vector<8192x128xf32>
    %dot_general3A_94 = tpu.matmul %convert_element_type3A_88, %convert_element_type3A_92, %dot_general3A_93 {dimension_numbers = #tpu.dot_dimension_numbers<[1], [1], [0], [0], [0, 0, 1, 0], [], []>, transpose_lhs_hint = false} : vector<8192x128xbf16>, vector<128x128xbf16>, vector<8192x128xf32> -> vector<8192x128xf32>
    %get3A_95 = arith.constant 0 : index
    %get3A_96 = arith.constant 0 : index
    %get3A_97 = vector.load %arg13[%get3A_95, %get3A_96] : memref<1x128xf32, #tpu.memory_space<vmem>>, vector<1x128xf32>
    %add3A_98 = vector.broadcast %get3A_97 : vector<1x128xf32> to vector<8192x128xf32>
    %add3A_99 = arith.addf %dot_general3A_94, %add3A_98 : vector<8192x128xf32>
    %max3A_100 = arith.constant 0.000000e+00 : f32
    %max3A_101 = vector.broadcast %max3A_100 : f32 to vector<8192x128xf32>
    %max3A_102 = arith.maximumf %add3A_99, %max3A_101 : vector<8192x128xf32>
    %convert_element_type3A_103 = arith.truncf %max3A_102 : vector<8192x128xf32> to vector<8192x128xbf16>
    %get3A_104 = arith.constant 0 : index
    %get3A_105 = arith.constant 0 : index
    %get3A_106 = vector.load %arg14[%get3A_104, %get3A_105] : memref<1x128xf32, #tpu.memory_space<vmem>>, vector<1x128xf32>
    %convert_element_type3A_107 = arith.truncf %get3A_106 : vector<1x128xf32> to vector<1x128xbf16>
    %dot_general3A_108 = arith.constant dense<0.000000e+00> : vector<1x8192xf32>
    %dot_general3A_109 = tpu.matmul %convert_element_type3A_107, %convert_element_type3A_103, %dot_general3A_108 {dimension_numbers = #tpu.dot_dimension_numbers<[1], [1], [0], [0], [0, 0, 1, 0], [], []>, transpose_lhs_hint = false} : vector<1x128xbf16>, vector<8192x128xbf16>, vector<1x8192xf32> -> vector<1x8192xf32>
    %get3A_110 = arith.constant 0 : index
    %get3A_111 = arith.constant 0 : index
    %get3A_112 = vector.load %arg15[%get3A_110, %get3A_111] : memref<1x1xf32, #tpu.memory_space<vmem>>, vector<1x1xf32>
    %get3A_113 = vector.extract %get3A_112[0, 0] : f32 from vector<1x1xf32>
    %add3A_114 = vector.broadcast %get3A_113 : f32 to vector<1x8192xf32>
    %add3A_115 = arith.addf %dot_general3A_109, %add3A_114 : vector<1x8192xf32>
    %jit3A = arith.constant -3.000000e+38 : f32
    %broadcast_in_dim3A_116 = vector.shape_cast %add3A_115 : vector<1x8192xf32> to vector<1x8192xf32>
    %broadcast_in_dim3A_117 = vector.broadcast %broadcast_in_dim3A_116 : vector<1x8192xf32> to vector<16x8192xf32>
    %broadcast_in_dim3A_118 = vector.broadcast %jit3A : f32 to vector<16x8192xf32>
    %select_n3A = arith.select %eq3A_45, %broadcast_in_dim3A_117, %broadcast_in_dim3A_118 : vector<16x8192xi1>, vector<16x8192xf32>
    %reduce_max3A = arith.constant dense<0xFF800000> : vector<16xf32>
    %reduce_max3A_119 = vector.multi_reduction <maximumf>, %select_n3A, %reduce_max3A [1] : vector<16x8192xf32> to vector<16xf32>
    %broadcast_in_dim3A_120 = vector.shape_cast %reduce_max3A_119 : vector<16xf32> to vector<16x1xf32>
    %jit3A_121 = arith.constant -3.000000e+38 : f32
    %broadcast_in_dim3A_122 = vector.shape_cast %broadcast_in_dim3A_120 : vector<16x1xf32> to vector<16x1xf32>
    %broadcast_in_dim3A_123 = vector.broadcast %broadcast_in_dim3A_122 : vector<16x1xf32> to vector<16x8192xf32>
    %broadcast_in_dim3A_124 = vector.broadcast %jit3A_121 : f32 to vector<16x8192xf32>
    %select_n3A_125 = arith.select %eq3A_45, %broadcast_in_dim3A_123, %broadcast_in_dim3A_124 : vector<16x8192xi1>, vector<16x8192xf32>
    %reduce_max3A_126 = arith.constant dense<0xFF800000> : vector<8192xf32>
    %reduce_max3A_127 = vector.multi_reduction <maximumf>, %select_n3A_125, %reduce_max3A_126 [0] : vector<16x8192xf32> to vector<8192xf32>
    %broadcast_in_dim3A_128 = vector.shape_cast %reduce_max3A_127 : vector<8192xf32> to vector<1x8192xf32>
    %sub3A = arith.subf %add3A_115, %broadcast_in_dim3A_128 : vector<1x8192xf32>
    %exp3A = math.exp %sub3A : vector<1x8192xf32>
    %jit3A_129 = arith.constant 0.000000e+00 : f32
    %broadcast_in_dim3A_130 = vector.shape_cast %exp3A : vector<1x8192xf32> to vector<1x8192xf32>
    %broadcast_in_dim3A_131 = vector.broadcast %broadcast_in_dim3A_130 : vector<1x8192xf32> to vector<16x8192xf32>
    %broadcast_in_dim3A_132 = vector.broadcast %jit3A_129 : f32 to vector<16x8192xf32>
    %select_n3A_133 = arith.select %eq3A_45, %broadcast_in_dim3A_131, %broadcast_in_dim3A_132 : vector<16x8192xi1>, vector<16x8192xf32>
    %reduce_sum3A = arith.constant dense<0.000000e+00> : vector<16xf32>
    %reduce_sum3A_134 = vector.multi_reduction <add>, %select_n3A_133, %reduce_sum3A [1] : vector<16x8192xf32> to vector<16xf32>
    %broadcast_in_dim3A_135 = vector.shape_cast %reduce_sum3A_134 : vector<16xf32> to vector<16x1xf32>
    %convert_element_type3A_136 = arith.truncf %select_n3A_133 : vector<16x8192xf32> to vector<16x8192xbf16>
    %dot_general3A_137 = arith.constant dense<0.000000e+00> : vector<16x128xf32>
    %dot_general3A_138 = tpu.matmul %convert_element_type3A_136, %convert_element_type3A_75, %dot_general3A_137 {dimension_numbers = #tpu.dot_dimension_numbers<[1], [0], [0], [1], [0, 0, 1, 1], [], []>, transpose_lhs_hint = false} : vector<16x8192xbf16>, vector<8192x128xbf16>, vector<16x128xf32> -> vector<16x128xf32>
    %swap3A = arith.constant 0 : index
    %swap3A_139 = arith.constant 0 : index
    %swap3A_140 = vector.load %arg16[%swap3A, %swap3A_139] : memref<16x1xf32, #tpu.memory_space<vmem>>, vector<16x1xf32>
    tpu.vector_store %arg16[%swap3A, %swap3A_139], %broadcast_in_dim3A_120 {strides = array<i32>} : memref<16x1xf32, #tpu.memory_space<vmem>>, vector<16x1xf32>,
    %swap3A_141 = arith.constant 0 : index
    %swap3A_142 = arith.constant 0 : index
    %swap3A_143 = vector.load %arg17[%swap3A_141, %swap3A_142] : memref<16x1xf32, #tpu.memory_space<vmem>>, vector<16x1xf32>
    tpu.vector_store %arg17[%swap3A_141, %swap3A_142], %broadcast_in_dim3A_135 {strides = array<i32>} : memref<16x1xf32, #tpu.memory_space<vmem>>, vector<16x1xf32>,
    %swap3A_144 = arith.constant 0 : index
    %swap3A_145 = arith.constant 0 : index
    %swap3A_146 = vector.load %arg18[%swap3A_144, %swap3A_145] : memref<16x128xf32, #tpu.memory_space<vmem>>, vector<16x128xf32>
    tpu.vector_store %arg18[%swap3A_144, %swap3A_145], %dot_general3A_138 {strides = array<i32>} : memref<16x128xf32, #tpu.memory_space<vmem>>, vector<16x128xf32>,
    return
  }
  func.func @transform_0(%arg0: i32) -> (i32, i32) {
    %c0_i32 = arith.constant 0 : i32
    %c0_i32_0 = arith.constant 0 : i32
    %c0_i32_1 = arith.constant 0 : i32
    return %c0_i32, %c0_i32_0 : i32, i32
  }
  func.func @transform_1(%arg0: i32) -> (i32, i32, i32) {
    %c0_i32 = arith.constant 0 : i32
    %c0_i32_0 = arith.constant 0 : i32
    %c0_i32_1 = arith.constant 0 : i32
    %c0_i32_2 = arith.constant 0 : i32
    return %c0_i32, %c0_i32_0, %c0_i32_1 : i32, i32, i32
  }
  func.func @transform_2(%arg0: i32) -> (i32, i32, i32) {
    %c0_i32 = arith.constant 0 : i32
    %c0_i32_0 = arith.constant 0 : i32
    %c0_i32_1 = arith.constant 0 : i32
    %c0_i32_2 = arith.constant 0 : i32
    return %c0_i32, %c0_i32_0, %c0_i32_1 : i32, i32, i32
  }
  func.func @transform_3(%arg0: i32) -> (i32, i32) {
    %c0_i32 = arith.constant 0 : i32
    %c0_i32_0 = arith.constant 0 : i32
    %c0_i32_1 = arith.constant 0 : i32
    return %c0_i32, %c0_i32_0 : i32, i32
  }
  func.func @transform_4(%arg0: i32) -> (i32, i32) {
    %c0_i32 = arith.constant 0 : i32
    %c0_i32_0 = arith.constant 0 : i32
    %c0_i32_1 = arith.constant 0 : i32
    return %c0_i32, %c0_i32_0 : i32, i32
  }
  func.func @transform_5(%arg0: i32) -> (i32, i32) {
    %c0_i32 = arith.constant 0 : i32
    %c0_i32_0 = arith.constant 0 : i32
    %c0_i32_1 = arith.constant 0 : i32
    return %c0_i32, %c0_i32_0 : i32, i32
  }
  func.func @transform_6(%arg0: i32) -> (i32, i32) {
    %c0_i32 = arith.constant 0 : i32
    %c0_i32_0 = arith.constant 0 : i32
    %c0_i32_1 = arith.constant 0 : i32
    return %c0_i32, %c0_i32_0 : i32, i32
  }
  func.func @transform_7(%arg0: i32) -> (i32, i32) {
    %c0_i32 = arith.constant 0 : i32
    %c0_i32_0 = arith.constant 0 : i32
    %c0_i32_1 = arith.constant 0 : i32
    return %c0_i32, %c0_i32_0 : i32, i32
  }
  func.func @transform_8(%arg0: i32) -> (i32, i32) {
    %c0_i32 = arith.constant 0 : i32
    %c0_i32_0 = arith.constant 0 : i32
    %c0_i32_1 = arith.constant 0 : i32
    return %c0_i32, %c0_i32_0 : i32, i32
  }
  func.func @transform_9(%arg0: i32) -> (i32, i32) {
    %c0_i32 = arith.constant 0 : i32
    %c0_i32_0 = arith.constant 0 : i32
    %c0_i32_1 = arith.constant 0 : i32
    return %c0_i32, %c0_i32_0 : i32, i32
  }
  func.func @transform_10(%arg0: i32) -> (i32, i32) {
    %c0_i32 = arith.constant 0 : i32
    %c0_i32_0 = arith.constant 0 : i32
    %c0_i32_1 = arith.constant 0 : i32
    return %c0_i32, %c0_i32_0 : i32, i32
  }
  func.func @transform_11(%arg0: i32) -> (i32, i32) {
    %c0_i32 = arith.constant 0 : i32
    %c0_i32_0 = arith.constant 0 : i32
    %c0_i32_1 = arith.constant 0 : i32
    return %c0_i32, %c0_i32_0 : i32, i32
  }
  func.func @transform_12(%arg0: i32) -> (i32, i32) {
    %c0_i32 = arith.constant 0 : i32
    %c0_i32_0 = arith.constant 0 : i32
    %c0_i32_1 = arith.constant 0 : i32
    return %c0_i32, %c0_i32_0 : i32, i32
  }
  func.func @transform_13(%arg0: i32) -> (i32, i32) {
    %c0_i32 = arith.constant 0 : i32
    %c0_i32_0 = arith.constant 0 : i32
    %c0_i32_1 = arith.constant 0 : i32
    return %c0_i32, %c0_i32_0 : i32, i32
  }
  func.func @transform_14(%arg0: i32) -> (i32, i32) {
    %c0_i32 = arith.constant 0 : i32
    %c0_i32_0 = arith.constant 0 : i32
    %c0_i32_1 = arith.constant 0 : i32
    return %c0_i32, %c0_i32_0 : i32, i32
  }
  func.func @transform_15(%arg0: i32) -> (i32, i32) {
    %c0_i32 = arith.constant 0 : i32
    %c0_i32_0 = arith.constant 0 : i32
    %c0_i32_1 = arith.constant 0 : i32
    return %c0_i32, %c0_i32_0 : i32, i32
  }
  func.func @transform_16(%arg0: i32) -> (i32, i32) {
    %c0_i32 = arith.constant 0 : i32
    %c0_i32_0 = arith.constant 0 : i32
    %c0_i32_1 = arith.constant 0 : i32
    return %c0_i32, %c0_i32_0 : i32, i32
  }
  func.func @transform_17(%arg0: i32) -> (i32, i32) {
    %c0_i32 = arith.constant 0 : i32
    %c0_i32_0 = arith.constant 0 : i32
    %c0_i32_1 = arith.constant 0 : i32
    return %c0_i32, %c0_i32_0 : i32, i32
  }
}

module attributes {stable_mosaic.version = 14 : i64} {
  func.func @_tc_half_body(%arg0: i32, %arg1: memref<8192x128xf32, #tpu.memory_space<vmem>>, %arg2: memref<1x1x8192xi32, #tpu.memory_space<vmem>>, %arg3: memref<1x1x8192xi32, #tpu.memory_space<vmem>>, %arg4: memref<16x128xf32, #tpu.memory_space<vmem>>, %arg5: memref<5x128xf32, #tpu.memory_space<vmem>>, %arg6: memref<128x256xf32, #tpu.memory_space<vmem>>, %arg7: memref<1x128xf32, #tpu.memory_space<vmem>>, %arg8: memref<128x128xf32, #tpu.memory_space<vmem>>, %arg9: memref<1x128xf32, #tpu.memory_space<vmem>>, %arg10: memref<128x256xf32, #tpu.memory_space<vmem>>, %arg11: memref<1x128xf32, #tpu.memory_space<vmem>>, %arg12: memref<128x128xf32, #tpu.memory_space<vmem>>, %arg13: memref<1x128xf32, #tpu.memory_space<vmem>>, %arg14: memref<1x128xf32, #tpu.memory_space<vmem>>, %arg15: memref<1x1xf32, #tpu.memory_space<vmem>>, %arg16: memref<16x1xf32, #tpu.memory_space<vmem>>, %arg17: memref<16x1xf32, #tpu.memory_space<vmem>>, %arg18: memref<16x128xf32, #tpu.memory_space<vmem>>, %arg19: memref<16x128xf32, #tpu.memory_space<vmem>>) attributes {dimension_semantics = [#tpu.dimension_semantics<arbitrary>], iteration_bounds = array<i64: 1>, scalar_prefetch = 0 : i64, scratch_operands = 0 : i64, tpu.core_type = #tpu.core_type<tc>, window_params = [{pipeline_mode = #tpu.pipeline_mode<synchronous>, transform_indices = @transform_0, window_bounds = array<i64: 8192, 128>}, {transform_indices = @transform_1, window_bounds = array<i64: 1, 1, 8192>}, {transform_indices = @transform_2, window_bounds = array<i64: 1, 1, 8192>}, {pipeline_mode = #tpu.pipeline_mode<synchronous>, transform_indices = @transform_3, window_bounds = array<i64: 16, 128>}, {pipeline_mode = #tpu.pipeline_mode<synchronous>, transform_indices = @transform_4, window_bounds = array<i64: 5, 128>}, {pipeline_mode = #tpu.pipeline_mode<synchronous>, transform_indices = @transform_5, window_bounds = array<i64: 128, 256>}, {pipeline_mode = #tpu.pipeline_mode<synchronous>, transform_indices = @transform_6, window_bounds = array<i64: 1, 128>}, {pipeline_mode = #tpu.pipeline_mode<synchronous>, transform_indices = @transform_7, window_bounds = array<i64: 128, 128>}, {pipeline_mode = #tpu.pipeline_mode<synchronous>, transform_indices = @transform_8, window_bounds = array<i64: 1, 128>}, {pipeline_mode = #tpu.pipeline_mode<synchronous>, transform_indices = @transform_9, window_bounds = array<i64: 128, 256>}, {pipeline_mode = #tpu.pipeline_mode<synchronous>, transform_indices = @transform_10, window_bounds = array<i64: 1, 128>}, {pipeline_mode = #tpu.pipeline_mode<synchronous>, transform_indices = @transform_11, window_bounds = array<i64: 128, 128>}, {pipeline_mode = #tpu.pipeline_mode<synchronous>, transform_indices = @transform_12, window_bounds = array<i64: 1, 128>}, {pipeline_mode = #tpu.pipeline_mode<synchronous>, transform_indices = @transform_13, window_bounds = array<i64: 1, 128>}, {pipeline_mode = #tpu.pipeline_mode<synchronous>, transform_indices = @transform_14, window_bounds = array<i64: 1, 1>}, {pipeline_mode = #tpu.pipeline_mode<synchronous>, transform_indices = @transform_15, window_bounds = array<i64: 16, 1>}, {pipeline_mode = #tpu.pipeline_mode<synchronous>, transform_indices = @transform_16, window_bounds = array<i64: 16, 1>}, {pipeline_mode = #tpu.pipeline_mode<synchronous>, transform_indices = @transform_17, window_bounds = array<i64: 16, 128>}, {pipeline_mode = #tpu.pipeline_mode<synchronous>, transform_indices = @transform_18, window_bounds = array<i64: 16, 128>}]} {
    %get3A = arith.constant 0 : index
    %get3A_0 = arith.constant 0 : index
    %get3A_1 = vector.load %arg5[%get3A, %get3A_0] : memref<5x128xf32, #tpu.memory_space<vmem>>, vector<5x128xf32>
    %get3A_2 = arith.constant 0 : index
    %get3A_3 = arith.constant 128 : index
    %get3A_4 = vector.load %arg6[%get3A_2, %get3A_3] : memref<128x256xf32, #tpu.memory_space<vmem>>, vector<128x128xf32>
    %dot_general3A = arith.constant dense<0.000000e+00> : vector<5x128xf32>
    %dot_general3A_5 = tpu.matmul %get3A_1, %get3A_4, %dot_general3A {dimension_numbers = #tpu.dot_dimension_numbers<[1], [1], [0], [0], [0, 0, 1, 0], [], []>, transpose_lhs_hint = false} : vector<5x128xf32>, vector<128x128xf32>, vector<5x128xf32> -> vector<5x128xf32>
    %get3A_6 = arith.constant 0 : index
    %get3A_7 = arith.constant 0 : index
    %get3A_8 = vector.load %arg7[%get3A_6, %get3A_7] : memref<1x128xf32, #tpu.memory_space<vmem>>, vector<1x128xf32>
    %add3A = vector.broadcast %get3A_8 : vector<1x128xf32> to vector<5x128xf32>
    %add3A_9 = arith.addf %dot_general3A_5, %add3A : vector<5x128xf32>
    %broadcast_in_dim3A = arith.constant 0.000000e+00 : f32
    %broadcast_in_dim3A_10 = vector.broadcast %broadcast_in_dim3A : f32 to vector<3x128xf32>
    %concatenate3A = tpu.concatenate %add3A_9, %broadcast_in_dim3A_10 in 0 : vector<5x128xf32>, vector<3x128xf32> -> vector<8x128xf32>
    %convert_element_type3A = arith.truncf %concatenate3A : vector<8x128xf32> to vector<8x128xbf16>
    %get3A_11 = arith.constant 0 : index
    %get3A_12 = arith.constant 0 : index
    %get3A_13 = vector.load %arg4[%get3A_11, %get3A_12] : memref<16x128xf32, #tpu.memory_space<vmem>>, vector<16x128xf32>
    %get3A_14 = arith.constant 0 : index
    %get3A_15 = arith.constant 128 : index
    %get3A_16 = vector.load %arg10[%get3A_14, %get3A_15] : memref<128x256xf32, #tpu.memory_space<vmem>>, vector<128x128xf32>
    %dot_general3A_17 = arith.constant dense<0.000000e+00> : vector<16x128xf32>
    %dot_general3A_18 = tpu.matmul %get3A_13, %get3A_16, %dot_general3A_17 {dimension_numbers = #tpu.dot_dimension_numbers<[1], [1], [0], [0], [0, 0, 1, 0], [], []>, transpose_lhs_hint = false} : vector<16x128xf32>, vector<128x128xf32>, vector<16x128xf32> -> vector<16x128xf32>
    %get3A_19 = arith.constant 0 : index
    %get3A_20 = arith.constant 0 : index
    %get3A_21 = vector.load %arg11[%get3A_19, %get3A_20] : memref<1x128xf32, #tpu.memory_space<vmem>>, vector<1x128xf32>
    %add3A_22 = vector.broadcast %get3A_21 : vector<1x128xf32> to vector<16x128xf32>
    %add3A_23 = arith.addf %dot_general3A_18, %add3A_22 : vector<16x128xf32>
    %convert_element_type3A_24 = arith.truncf %add3A_23 : vector<16x128xf32> to vector<16x128xbf16>
    %get3A_25 = arith.constant 0 : index
    %get3A_26 = arith.constant 0 : index
    %get3A_27 = vector.load %arg1[%get3A_25, %get3A_26] : memref<8192x128xf32, #tpu.memory_space<vmem>>, vector<8192x128xf32>
    %convert_element_type3A_28 = arith.truncf %get3A_27 : vector<8192x128xf32> to vector<8192x128xbf16>
    %get3A_29 = arith.constant 0 : index
    %get3A_30 = arith.constant 0 : index
    %get3A_31 = arith.constant 0 : index
    %get3A_32 = vector.load %arg2[%get3A_29, %get3A_30, %get3A_31] : memref<1x1x8192xi32, #tpu.memory_space<vmem>>, vector<1x1x8192xi32>
    %get3A_33 = vector.shape_cast %get3A_32 : vector<1x1x8192xi32> to vector<1x8192xi32>
    %get3A_34 = arith.constant 0 : index
    %get3A_35 = arith.constant 0 : index
    %get3A_36 = arith.constant 0 : index
    %get3A_37 = vector.load %arg3[%get3A_34, %get3A_35, %get3A_36] : memref<1x1x8192xi32, #tpu.memory_space<vmem>>, vector<1x1x8192xi32>
    %get3A_38 = vector.shape_cast %get3A_37 : vector<1x1x8192xi32> to vector<1x8192xi32>
    %iota3A = tpu.iota {dimensions = array<i32: 0>} : vector<8x8192xi32>
    %eq3A = vector.broadcast %get3A_33 : vector<1x8192xi32> to vector<8x8192xi32>
    %eq3A_39 = arith.cmpi eq, %iota3A, %eq3A : vector<8x8192xi32>
    %convert_element_type3A_40 = arith.extui %eq3A_39 : vector<8x8192xi1> to vector<8x8192xi32>
    %convert_element_type3A_41 = arith.sitofp %convert_element_type3A_40 : vector<8x8192xi32> to vector<8x8192xf32>
    %convert_element_type3A_42 = arith.truncf %convert_element_type3A_41 : vector<8x8192xf32> to vector<8x8192xbf16>
    %iota3A_43 = tpu.iota {dimensions = array<i32: 0>} : vector<16x8192xi32>
    %eq3A_44 = vector.broadcast %get3A_38 : vector<1x8192xi32> to vector<16x8192xi32>
    %eq3A_45 = arith.cmpi eq, %iota3A_43, %eq3A_44 : vector<16x8192xi32>
    %convert_element_type3A_46 = arith.extui %eq3A_45 : vector<16x8192xi1> to vector<16x8192xi32>
    %convert_element_type3A_47 = arith.sitofp %convert_element_type3A_46 : vector<16x8192xi32> to vector<16x8192xf32>
    %convert_element_type3A_48 = arith.truncf %convert_element_type3A_47 : vector<16x8192xf32> to vector<16x8192xbf16>
    %get3A_49 = arith.constant 0 : index
    %get3A_50 = arith.constant 0 : index
    %get3A_51 = vector.load %arg6[%get3A_49, %get3A_50] : memref<128x256xf32, #tpu.memory_space<vmem>>, vector<128x128xf32>
    %convert_element_type3A_52 = arith.truncf %get3A_51 : vector<128x128xf32> to vector<128x128xbf16>
    %dot_general3A_53 = arith.constant dense<0.000000e+00> : vector<8192x128xf32>
    %dot_general3A_54 = tpu.matmul %convert_element_type3A_28, %convert_element_type3A_52, %dot_general3A_53 {dimension_numbers = #tpu.dot_dimension_numbers<[1], [1], [0], [0], [0, 0, 1, 0], [], []>, transpose_lhs_hint = false} : vector<8192x128xbf16>, vector<128x128xbf16>, vector<8192x128xf32> -> vector<8192x128xf32>
    %dot_general3A_55 = arith.constant dense<0.000000e+00> : vector<8192x128xf32>
    %dot_general3A_56 = tpu.matmul %convert_element_type3A_42, %convert_element_type3A, %dot_general3A_55 {dimension_numbers = #tpu.dot_dimension_numbers<[0], [0], [1], [1], [0, 1, 1, 1], [], []>, transpose_lhs_hint = false} : vector<8x8192xbf16>, vector<8x128xbf16>, vector<8192x128xf32> -> vector<8192x128xf32>
    %add3A_57 = arith.addf %dot_general3A_54, %dot_general3A_56 : vector<8192x128xf32>
    %max3A = arith.constant 0.000000e+00 : f32
    %max3A_58 = vector.broadcast %max3A : f32 to vector<8192x128xf32>
    %max3A_59 = arith.maximumf %add3A_57, %max3A_58 : vector<8192x128xf32>
    %convert_element_type3A_60 = arith.truncf %max3A_59 : vector<8192x128xf32> to vector<8192x128xbf16>
    %get3A_61 = arith.constant 0 : index
    %get3A_62 = arith.constant 0 : index
    %get3A_63 = vector.load %arg8[%get3A_61, %get3A_62] : memref<128x128xf32, #tpu.memory_space<vmem>>, vector<128x128xf32>
    %convert_element_type3A_64 = arith.truncf %get3A_63 : vector<128x128xf32> to vector<128x128xbf16>
    %dot_general3A_65 = arith.constant dense<0.000000e+00> : vector<8192x128xf32>
    %dot_general3A_66 = tpu.matmul %convert_element_type3A_60, %convert_element_type3A_64, %dot_general3A_65 {dimension_numbers = #tpu.dot_dimension_numbers<[1], [1], [0], [0], [0, 0, 1, 0], [], []>, transpose_lhs_hint = false} : vector<8192x128xbf16>, vector<128x128xbf16>, vector<8192x128xf32> -> vector<8192x128xf32>
    %get3A_67 = arith.constant 0 : index
    %get3A_68 = arith.constant 0 : index
    %get3A_69 = vector.load %arg9[%get3A_67, %get3A_68] : memref<1x128xf32, #tpu.memory_space<vmem>>, vector<1x128xf32>
    %add3A_70 = vector.broadcast %get3A_69 : vector<1x128xf32> to vector<8192x128xf32>
    %add3A_71 = arith.addf %dot_general3A_66, %add3A_70 : vector<8192x128xf32>
    %max3A_72 = arith.constant 0.000000e+00 : f32
    %max3A_73 = vector.broadcast %max3A_72 : f32 to vector<8192x128xf32>
    %max3A_74 = arith.maximumf %add3A_71, %max3A_73 : vector<8192x128xf32>
    %convert_element_type3A_75 = arith.truncf %max3A_74 : vector<8192x128xf32> to vector<8192x128xbf16>
    %get3A_76 = arith.constant 0 : index
    %get3A_77 = arith.constant 0 : index
    %get3A_78 = vector.load %arg10[%get3A_76, %get3A_77] : memref<128x256xf32, #tpu.memory_space<vmem>>, vector<128x128xf32>
    %convert_element_type3A_79 = arith.truncf %get3A_78 : vector<128x128xf32> to vector<128x128xbf16>
    %dot_general3A_80 = arith.constant dense<0.000000e+00> : vector<8192x128xf32>
    %dot_general3A_81 = tpu.matmul %convert_element_type3A_75, %convert_element_type3A_79, %dot_general3A_80 {dimension_numbers = #tpu.dot_dimension_numbers<[1], [1], [0], [0], [0, 0, 1, 0], [], []>, transpose_lhs_hint = false} : vector<8192x128xbf16>, vector<128x128xbf16>, vector<8192x128xf32> -> vector<8192x128xf32>
    %dot_general3A_82 = arith.constant dense<0.000000e+00> : vector<8192x128xf32>
    %dot_general3A_83 = tpu.matmul %convert_element_type3A_48, %convert_element_type3A_24, %dot_general3A_82 {dimension_numbers = #tpu.dot_dimension_numbers<[0], [0], [1], [1], [0, 1, 1, 1], [], []>, transpose_lhs_hint = false} : vector<16x8192xbf16>, vector<16x128xbf16>, vector<8192x128xf32> -> vector<8192x128xf32>
    %add3A_84 = arith.addf %dot_general3A_81, %dot_general3A_83 : vector<8192x128xf32>
    %max3A_85 = arith.constant 0.000000e+00 : f32
    %max3A_86 = vector.broadcast %max3A_85 : f32 to vector<8192x128xf32>
    %max3A_87 = arith.maximumf %add3A_84, %max3A_86 : vector<8192x128xf32>
    %convert_element_type3A_88 = arith.truncf %max3A_87 : vector<8192x128xf32> to vector<8192x128xbf16>
    %get3A_89 = arith.constant 0 : index
    %get3A_90 = arith.constant 0 : index
    %get3A_91 = vector.load %arg12[%get3A_89, %get3A_90] : memref<128x128xf32, #tpu.memory_space<vmem>>, vector<128x128xf32>
    %convert_element_type3A_92 = arith.truncf %get3A_91 : vector<128x128xf32> to vector<128x128xbf16>
    %dot_general3A_93 = arith.constant dense<0.000000e+00> : vector<8192x128xf32>
    %dot_general3A_94 = tpu.matmul %convert_element_type3A_88, %convert_element_type3A_92, %dot_general3A_93 {dimension_numbers = #tpu.dot_dimension_numbers<[1], [1], [0], [0], [0, 0, 1, 0], [], []>, transpose_lhs_hint = false} : vector<8192x128xbf16>, vector<128x128xbf16>, vector<8192x128xf32> -> vector<8192x128xf32>
    %get3A_95 = arith.constant 0 : index
    %get3A_96 = arith.constant 0 : index
    %get3A_97 = vector.load %arg13[%get3A_95, %get3A_96] : memref<1x128xf32, #tpu.memory_space<vmem>>, vector<1x128xf32>
    %add3A_98 = vector.broadcast %get3A_97 : vector<1x128xf32> to vector<8192x128xf32>
    %add3A_99 = arith.addf %dot_general3A_94, %add3A_98 : vector<8192x128xf32>
    %max3A_100 = arith.constant 0.000000e+00 : f32
    %max3A_101 = vector.broadcast %max3A_100 : f32 to vector<8192x128xf32>
    %max3A_102 = arith.maximumf %add3A_99, %max3A_101 : vector<8192x128xf32>
    %convert_element_type3A_103 = arith.truncf %max3A_102 : vector<8192x128xf32> to vector<8192x128xbf16>
    %get3A_104 = arith.constant 0 : index
    %get3A_105 = arith.constant 0 : index
    %get3A_106 = vector.load %arg14[%get3A_104, %get3A_105] : memref<1x128xf32, #tpu.memory_space<vmem>>, vector<1x128xf32>
    %convert_element_type3A_107 = arith.truncf %get3A_106 : vector<1x128xf32> to vector<1x128xbf16>
    %dot_general3A_108 = arith.constant dense<0.000000e+00> : vector<1x8192xf32>
    %dot_general3A_109 = tpu.matmul %convert_element_type3A_107, %convert_element_type3A_103, %dot_general3A_108 {dimension_numbers = #tpu.dot_dimension_numbers<[1], [1], [0], [0], [0, 0, 1, 0], [], []>, transpose_lhs_hint = false} : vector<1x128xbf16>, vector<8192x128xbf16>, vector<1x8192xf32> -> vector<1x8192xf32>
    %get3A_110 = arith.constant 0 : index
    %get3A_111 = arith.constant 0 : index
    %get3A_112 = vector.load %arg15[%get3A_110, %get3A_111] : memref<1x1xf32, #tpu.memory_space<vmem>>, vector<1x1xf32>
    %get3A_113 = vector.extract %get3A_112[0, 0] : f32 from vector<1x1xf32>
    %add3A_114 = vector.broadcast %get3A_113 : f32 to vector<1x8192xf32>
    %add3A_115 = arith.addf %dot_general3A_109, %add3A_114 : vector<1x8192xf32>
    %jit3A = arith.constant -3.000000e+38 : f32
    %broadcast_in_dim3A_116 = vector.shape_cast %add3A_115 : vector<1x8192xf32> to vector<1x8192xf32>
    %broadcast_in_dim3A_117 = vector.broadcast %broadcast_in_dim3A_116 : vector<1x8192xf32> to vector<16x8192xf32>
    %broadcast_in_dim3A_118 = vector.broadcast %jit3A : f32 to vector<16x8192xf32>
    %select_n3A = arith.select %eq3A_45, %broadcast_in_dim3A_117, %broadcast_in_dim3A_118 : vector<16x8192xi1>, vector<16x8192xf32>
    %reduce_max3A = arith.constant dense<0xFF800000> : vector<16xf32>
    %reduce_max3A_119 = vector.multi_reduction <maximumf>, %select_n3A, %reduce_max3A [1] : vector<16x8192xf32> to vector<16xf32>
    %broadcast_in_dim3A_120 = vector.shape_cast %reduce_max3A_119 : vector<16xf32> to vector<16x1xf32>
    %jit3A_121 = arith.constant -3.000000e+38 : f32
    %broadcast_in_dim3A_122 = vector.shape_cast %broadcast_in_dim3A_120 : vector<16x1xf32> to vector<16x1xf32>
    %broadcast_in_dim3A_123 = vector.broadcast %broadcast_in_dim3A_122 : vector<16x1xf32> to vector<16x8192xf32>
    %broadcast_in_dim3A_124 = vector.broadcast %jit3A_121 : f32 to vector<16x8192xf32>
    %select_n3A_125 = arith.select %eq3A_45, %broadcast_in_dim3A_123, %broadcast_in_dim3A_124 : vector<16x8192xi1>, vector<16x8192xf32>
    %reduce_max3A_126 = arith.constant dense<0xFF800000> : vector<8192xf32>
    %reduce_max3A_127 = vector.multi_reduction <maximumf>, %select_n3A_125, %reduce_max3A_126 [0] : vector<16x8192xf32> to vector<8192xf32>
    %broadcast_in_dim3A_128 = vector.shape_cast %reduce_max3A_127 : vector<8192xf32> to vector<1x8192xf32>
    %sub3A = arith.subf %add3A_115, %broadcast_in_dim3A_128 : vector<1x8192xf32>
    %exp3A = math.exp %sub3A : vector<1x8192xf32>
    %jit3A_129 = arith.constant 0.000000e+00 : f32
    %broadcast_in_dim3A_130 = vector.shape_cast %exp3A : vector<1x8192xf32> to vector<1x8192xf32>
    %broadcast_in_dim3A_131 = vector.broadcast %broadcast_in_dim3A_130 : vector<1x8192xf32> to vector<16x8192xf32>
    %broadcast_in_dim3A_132 = vector.broadcast %jit3A_129 : f32 to vector<16x8192xf32>
    %select_n3A_133 = arith.select %eq3A_45, %broadcast_in_dim3A_131, %broadcast_in_dim3A_132 : vector<16x8192xi1>, vector<16x8192xf32>
    %reduce_sum3A = arith.constant dense<0.000000e+00> : vector<16xf32>
    %reduce_sum3A_134 = vector.multi_reduction <add>, %select_n3A_133, %reduce_sum3A [1] : vector<16x8192xf32> to vector<16xf32>
    %broadcast_in_dim3A_135 = vector.shape_cast %reduce_sum3A_134 : vector<16xf32> to vector<16x1xf32>
    %convert_element_type3A_136 = arith.truncf %select_n3A_133 : vector<16x8192xf32> to vector<16x8192xbf16>
    %dot_general3A_137 = arith.constant dense<0.000000e+00> : vector<16x128xf32>
    %dot_general3A_138 = tpu.matmul %convert_element_type3A_136, %convert_element_type3A_75, %dot_general3A_137 {dimension_numbers = #tpu.dot_dimension_numbers<[1], [0], [0], [1], [0, 0, 1, 1], [], []>, transpose_lhs_hint = false} : vector<16x8192xbf16>, vector<8192x128xbf16>, vector<16x128xf32> -> vector<16x128xf32>
    %get3A_139 = arith.constant 0 : index
    %get3A_140 = arith.constant 0 : index
    %get3A_141 = vector.load %arg16[%get3A_139, %get3A_140] : memref<16x1xf32, #tpu.memory_space<vmem>>, vector<16x1xf32>
    %max3A_142 = arith.maximumf %get3A_141, %broadcast_in_dim3A_120 : vector<16x1xf32>
    %sub3A_143 = arith.subf %get3A_141, %max3A_142 : vector<16x1xf32>
    %exp3A_144 = math.exp %sub3A_143 : vector<16x1xf32>
    %sub3A_145 = arith.subf %broadcast_in_dim3A_120, %max3A_142 : vector<16x1xf32>
    %exp3A_146 = math.exp %sub3A_145 : vector<16x1xf32>
    %get3A_147 = arith.constant 0 : index
    %get3A_148 = arith.constant 0 : index
    %get3A_149 = vector.load %arg17[%get3A_147, %get3A_148] : memref<16x1xf32, #tpu.memory_space<vmem>>, vector<16x1xf32>
    %mul3A = arith.mulf %get3A_149, %exp3A_144 : vector<16x1xf32>
    %mul3A_150 = arith.mulf %broadcast_in_dim3A_135, %exp3A_146 : vector<16x1xf32>
    %add3A_151 = arith.addf %mul3A, %mul3A_150 : vector<16x1xf32>
    %get3A_152 = arith.constant 0 : index
    %get3A_153 = arith.constant 0 : index
    %get3A_154 = vector.load %arg18[%get3A_152, %get3A_153] : memref<16x128xf32, #tpu.memory_space<vmem>>, vector<16x128xf32>
    %mul3A_155 = vector.broadcast %exp3A_144 : vector<16x1xf32> to vector<16x128xf32>
    %mul3A_156 = arith.mulf %get3A_154, %mul3A_155 : vector<16x128xf32>
    %mul3A_157 = vector.broadcast %exp3A_146 : vector<16x1xf32> to vector<16x128xf32>
    %mul3A_158 = arith.mulf %dot_general3A_138, %mul3A_157 : vector<16x128xf32>
    %add3A_159 = arith.addf %mul3A_156, %mul3A_158 : vector<16x128xf32>
    %gt3A = arith.constant 0.000000e+00 : f32
    %gt3A_160 = vector.broadcast %gt3A : f32 to vector<16x1xf32>
    %gt3A_161 = arith.cmpf ogt, %add3A_151, %gt3A_160 : vector<16x1xf32>
    %jit3A_162 = arith.constant 1.000000e+00 : f32
    %broadcast_in_dim3A_163 = vector.broadcast %jit3A_162 : f32 to vector<16x1xf32>
    %select_n3A_164 = arith.select %gt3A_161, %add3A_151, %broadcast_in_dim3A_163 : vector<16x1xi1>, vector<16x1xf32>
    %div3A = vector.broadcast %select_n3A_164 : vector<16x1xf32> to vector<16x128xf32>
    %div3A_165 = arith.divf %add3A_159, %div3A : vector<16x128xf32>
    %swap3A = arith.constant 0 : index
    %swap3A_166 = arith.constant 0 : index
    %swap3A_167 = vector.load %arg19[%swap3A, %swap3A_166] : memref<16x128xf32, #tpu.memory_space<vmem>>, vector<16x128xf32>
    tpu.vector_store %arg19[%swap3A, %swap3A_166], %div3A_165 {strides = array<i32>} : memref<16x128xf32, #tpu.memory_space<vmem>>, vector<16x128xf32>,
    return
  }
  func.func @transform_0(%arg0: i32) -> (i32, i32) {
    %c0_i32 = arith.constant 0 : i32
    %c0_i32_0 = arith.constant 0 : i32
    %c0_i32_1 = arith.constant 0 : i32
    return %c0_i32, %c0_i32_0 : i32, i32
  }
  func.func @transform_1(%arg0: i32) -> (i32, i32, i32) {
    %c1_i32 = arith.constant 1 : i32
    %c0_i32 = arith.constant 0 : i32
    %c0_i32_0 = arith.constant 0 : i32
    %c0_i32_1 = arith.constant 0 : i32
    return %c1_i32, %c0_i32, %c0_i32_0 : i32, i32, i32
  }
  func.func @transform_2(%arg0: i32) -> (i32, i32, i32) {
    %c1_i32 = arith.constant 1 : i32
    %c0_i32 = arith.constant 0 : i32
    %c0_i32_0 = arith.constant 0 : i32
    %c0_i32_1 = arith.constant 0 : i32
    return %c1_i32, %c0_i32, %c0_i32_0 : i32, i32, i32
  }
  func.func @transform_3(%arg0: i32) -> (i32, i32) {
    %c0_i32 = arith.constant 0 : i32
    %c0_i32_0 = arith.constant 0 : i32
    %c0_i32_1 = arith.constant 0 : i32
    return %c0_i32, %c0_i32_0 : i32, i32
  }
  func.func @transform_4(%arg0: i32) -> (i32, i32) {
    %c0_i32 = arith.constant 0 : i32
    %c0_i32_0 = arith.constant 0 : i32
    %c0_i32_1 = arith.constant 0 : i32
    return %c0_i32, %c0_i32_0 : i32, i32
  }
  func.func @transform_5(%arg0: i32) -> (i32, i32) {
    %c0_i32 = arith.constant 0 : i32
    %c0_i32_0 = arith.constant 0 : i32
    %c0_i32_1 = arith.constant 0 : i32
    return %c0_i32, %c0_i32_0 : i32, i32
  }
  func.func @transform_6(%arg0: i32) -> (i32, i32) {
    %c0_i32 = arith.constant 0 : i32
    %c0_i32_0 = arith.constant 0 : i32
    %c0_i32_1 = arith.constant 0 : i32
    return %c0_i32, %c0_i32_0 : i32, i32
  }
  func.func @transform_7(%arg0: i32) -> (i32, i32) {
    %c0_i32 = arith.constant 0 : i32
    %c0_i32_0 = arith.constant 0 : i32
    %c0_i32_1 = arith.constant 0 : i32
    return %c0_i32, %c0_i32_0 : i32, i32
  }
  func.func @transform_8(%arg0: i32) -> (i32, i32) {
    %c0_i32 = arith.constant 0 : i32
    %c0_i32_0 = arith.constant 0 : i32
    %c0_i32_1 = arith.constant 0 : i32
    return %c0_i32, %c0_i32_0 : i32, i32
  }
  func.func @transform_9(%arg0: i32) -> (i32, i32) {
    %c0_i32 = arith.constant 0 : i32
    %c0_i32_0 = arith.constant 0 : i32
    %c0_i32_1 = arith.constant 0 : i32
    return %c0_i32, %c0_i32_0 : i32, i32
  }
  func.func @transform_10(%arg0: i32) -> (i32, i32) {
    %c0_i32 = arith.constant 0 : i32
    %c0_i32_0 = arith.constant 0 : i32
    %c0_i32_1 = arith.constant 0 : i32
    return %c0_i32, %c0_i32_0 : i32, i32
  }
  func.func @transform_11(%arg0: i32) -> (i32, i32) {
    %c0_i32 = arith.constant 0 : i32
    %c0_i32_0 = arith.constant 0 : i32
    %c0_i32_1 = arith.constant 0 : i32
    return %c0_i32, %c0_i32_0 : i32, i32
  }
  func.func @transform_12(%arg0: i32) -> (i32, i32) {
    %c0_i32 = arith.constant 0 : i32
    %c0_i32_0 = arith.constant 0 : i32
    %c0_i32_1 = arith.constant 0 : i32
    return %c0_i32, %c0_i32_0 : i32, i32
  }
  func.func @transform_13(%arg0: i32) -> (i32, i32) {
    %c0_i32 = arith.constant 0 : i32
    %c0_i32_0 = arith.constant 0 : i32
    %c0_i32_1 = arith.constant 0 : i32
    return %c0_i32, %c0_i32_0 : i32, i32
  }
  func.func @transform_14(%arg0: i32) -> (i32, i32) {
    %c0_i32 = arith.constant 0 : i32
    %c0_i32_0 = arith.constant 0 : i32
    %c0_i32_1 = arith.constant 0 : i32
    return %c0_i32, %c0_i32_0 : i32, i32
  }
  func.func @transform_15(%arg0: i32) -> (i32, i32) {
    %c0_i32 = arith.constant 0 : i32
    %c0_i32_0 = arith.constant 0 : i32
    %c0_i32_1 = arith.constant 0 : i32
    return %c0_i32, %c0_i32_0 : i32, i32
  }
  func.func @transform_16(%arg0: i32) -> (i32, i32) {
    %c0_i32 = arith.constant 0 : i32
    %c0_i32_0 = arith.constant 0 : i32
    %c0_i32_1 = arith.constant 0 : i32
    return %c0_i32, %c0_i32_0 : i32, i32
  }
  func.func @transform_17(%arg0: i32) -> (i32, i32) {
    %c0_i32 = arith.constant 0 : i32
    %c0_i32_0 = arith.constant 0 : i32
    %c0_i32_1 = arith.constant 0 : i32
    return %c0_i32, %c0_i32_0 : i32, i32
  }
  func.func @transform_18(%arg0: i32) -> (i32, i32) {
    %c0_i32 = arith.constant 0 : i32
    %c0_i32_0 = arith.constant 0 : i32
    %c0_i32_1 = arith.constant 0 : i32
    return %c0_i32, %c0_i32_0 : i32, i32
  }
}

</mosaic_0001>

<sc_bundles>
// kernel: kernel.6.cloned.1.call-start
scs
__scs_entry_jumppad:
0x0: {  	(pc) =	sbr.rel $0x88, $3  }
0x1: {  	(tag) =	ssettag $0x0;
	lr =	simm.s32 $0x1  }
0x2: {  	[smem:$0x3F90] =	sst lr;
	_ =	strace $0xD0000000  }
0x3: {  	_ = 	snop  }
0x4: {  	_ = 	snop  }
0x5: {  	_ = 	snop  }
0x6: {  	_ = 	snop  }
0x7: {  	_ = 	snop  }
__scs_overlays_trampoline_lowered:
0x8: {  	[smem:$0x3F9F] =	sst s0  }
0x9: {  	[smem:$0x3FA0] =	sst s1  }
0xa: {  	[smem:$0x3FA1] =	sst s2  }
0xb: {  	[smem:$0x3FA2] =	sst s3  }
0xc: {  	[smem:$0x3FA3] =	sst s4  }
0xd: {  	[smem:$0x3FA4] =	sst s5  }
0xe: {  	[smem:$0x3FA5] =	sst s6  }
0xf: {  	[smem:$0x3FA6] =	sst s7  }
0x10: {  	[smem:$0x3FA7] =	sst s8  }
0x11: {  	[smem:$0x3FA8] =	sst s9;
	s0 =	simm.s32 @!p0 $0x0  }
0x12: {  	s1 =	sld [smem:$0x3F8E];
	s0 =	simm.s32 @p0 $0x1  }
0x13: {  	[smem:$0x3FA9] =	sst s0;
	s0 =	simm.s32 @!p1 $0x0  }
0x14: {  	s2 =	sld [smem:$0x3F8D];
	s0 =	simm.s32 @p1 $0x1  }
0x15: {  	[smem:$0x3FAA] =	sst s0;
	s0 =	simm.s32 @!p2 $0x0  }
0x16: {  	s3 =	sld [smem:$0x3FDB];
	s0 =	simm.s32 @p2 $0x1  }
0x17: {  	s4 =	simm.s32 $0x1BF5;
	[smem:$0x3FAC] =	sst s0  }
0x18: {  	s0 =	sld [smem:$0x3F8F];
	_ =	swait.ge [sflag:s4], $0x0  }
0x19: {  	s7 =	sld [smem:$0x3F90]  }
0x1a: {  	s8 =	sadd.s32 $0xFFFFE003, lr  }
0x1b: {  	s9 =	sadd.s32 $0xFFFFFEF7, lr;
	s5 =	simm.s32 $0xFFFFFFFF;
	p2 =	slt.u32 s8, $0xFFFFF086  }
0x1c: {  	p1 =	slt.u32 s9, $0xF7A;
	s5 =	simm.s32 @!p2 $0x0  }
0x1d: {  	s5 =	simm.s32 @p1 $0x1;
	p0 =	seq.s32 s7, s2  }
0x1e: {  	s7 =	smul.u32 @!p0 $0xF7A, s2;
	p2 =	seq.s32 @!p0 s5, $0x0  }
0x1f: {  	s9 =	smul.u32 $0xF7A, s1;
	s8 =	simm.s32 @!p0 $0x1BF5;
	p2 =	por !p2, p0  }
0x20: {  	[sflag:s8] =	ssyncset.s32 @!p0 $0xFFFFF086;
	s6 =	sadd.s32 @!p0 s3, s7;
	s7 =	simm.s32 @!p0 $0x108  }
0x21: {  	s3 =	sadd.s32 s3, s9;
	s6 =	sadd.s32 @!p0 $0x88, s6;
	s7 =	simm.s32 @p2 $0x1082  }
0x22: {  	[simem:s7], [sflag:s8] =	dma.local @!p0 [hbm:s6], $0xF7A  }
0x23: {  	s9 =	sor.u32 $0xD0000000, s2;
	s6 =	simm.s32 $0x108;
	_ =	swait.ge @!p0 [sflag:s8], $0x0  }
0x24: {  	s3 =	sadd.s32 $0x88, s3;
	s6 =	simm.s32 @!p1 $0x1082;
	[sflag:s4] =	ssyncset.s32 $0xFFFFF086  }
0x25: {  	[simem:s6], [sflag:s4] =	dma.local [hbm:s3], $0xF7A  }
0x26: {  	[smem:$0x3F90] =	sst s1;
	(tag) =	ssettag s2;
	_ =	strace s9  }
0x27: {  	s1 =	sld [smem:$0x3FA0]  }
0x28: {  	s2 =	sld [smem:$0x3FA1]  }
0x29: {  	s4 =	sld [smem:$0x3FA3]  }
0x2a: {  	p0 =	seq.s32 s5, $0x0;
	s5 =	sld [smem:$0x3FA4]  }
0x2b: {  	s6 =	sld [smem:$0x3FA5]  }
0x2c: {  	s7 =	sld [smem:$0x3FA6]  }
0x2d: {  	s3 =	simm.s32 $0x108;
	s8 =	sld [smem:$0x3FA7]  }
0x2e: {  	s3 =	simm.s32 @!p0 $0x1082;
	s9 =	sld [smem:$0x3FA8]  }
0x2f: {  	lr =	sadd.s32 s0, s3;
	s0 =	sld [smem:$0x3F9F]  }
0x30: {  	s3 =	sld [smem:$0x3FA2]  }
0x31: {  	[smem:$0x3FAB] =	sst s10  }
0x32: {  	s10 =	sld [smem:$0x3FA9];
	_ =	sdelay $0x3  }
0x33: {  	p0 =	seq.s32 s10, $0x1;
	s10 =	sld [smem:$0x3FAB];
	_ =	sdelay $0x3  }
0x34: {  	[smem:$0x3FAB] =	sst s10  }
0x35: {  	s10 =	sld [smem:$0x3FAA];
	_ =	sdelay $0x3  }
0x36: {  	p1 =	seq.s32 s10, $0x1;
	s10 =	sld [smem:$0x3FAB];
	_ =	sdelay $0x3  }
0x37: {  	[smem:$0x3FAB] =	sst s10  }
0x38: {  	s10 =	sld [smem:$0x3FAC]  }
0x39: {  	_ = 	snop;
	(pc) =	sbr.ind lr, $3  }
0x3a: {  	_ = 	snop  }
0x3b: {  	_ = 	snop  }
0x3c: {  	p2 =	seq.s32 s10, $0x1;
	s10 =	sld [smem:$0x3FAB]  }
0x3d: {  	_ =	shalt  }
0x3e: {  	_ =	shalt  }
0x3f: {  	_ =	shalt  }
0x40: {  	_ =	shalt  }
0x41: {  	_ =	shalt  }
0x42: {  	_ =	shalt  }
0x43: {  	_ =	shalt  }
0x44: {  	_ =	shalt  }
0x45: {  	_ =	shalt  }
0x46: {  	_ =	shalt  }
0x47: {  	_ =	shalt  }
0x48: {  	_ =	shalt  }
0x49: {  	_ =	shalt  }
0x4a: {  	_ =	shalt  }
0x4b: {  	_ =	shalt  }
0x4c: {  	_ =	shalt  }
0x4d: {  	_ =	shalt  }
0x4e: {  	_ =	shalt  }
0x4f: {  	_ =	shalt  }
0x50: {  	_ =	shalt  }
0x51: {  	_ =	shalt  }
0x52: {  	_ =	shalt  }
0x53: {  	_ =	shalt  }
0x54: {  	_ =	shalt  }
0x55: {  	_ =	shalt  }
0x56: {  	_ =	shalt  }
0x57: {  	_ =	shalt  }
0x58: {  	_ =	shalt  }
0x59: {  	_ =	shalt  }
0x5a: {  	_ =	shalt  }
0x5b: {  	_ =	shalt  }
0x5c: {  	_ =	shalt  }
0x5d: {  	_ =	shalt  }
0x5e: {  	_ =	shalt  }
0x5f: {  	_ =	shalt  }
0x60: {  	_ =	shalt  }
0x61: {  	_ =	shalt  }
0x62: {  	_ =	shalt  }
0x63: {  	_ =	shalt  }
0x64: {  	_ =	shalt  }
0x65: {  	_ =	shalt  }
0x66: {  	_ =	shalt  }
0x67: {  	_ =	shalt  }
0x68: {  	_ =	shalt  }
0x69: {  	_ =	shalt  }
0x6a: {  	_ =	shalt  }
0x6b: {  	_ =	shalt  }
0x6c: {  	_ =	shalt  }
0x6d: {  	_ =	shalt  }
0x6e: {  	_ =	shalt  }
0x6f: {  	_ =	shalt  }
0x70: {  	_ =	shalt  }
0x71: {  	_ =	shalt  }
0x72: {  	_ =	shalt  }
0x73: {  	_ =	shalt  }
0x74: {  	_ =	shalt  }
0x75: {  	_ =	shalt  }
0x76: {  	_ =	shalt  }
0x77: {  	_ =	shalt  }
0x78: {  	_ =	shalt  }
0x79: {  	_ =	shalt  }
0x7a: {  	_ =	shalt  }
0x7b: {  	_ =	shalt  }
0x7c: {  	_ =	shalt  }
0x7d: {  	_ =	shalt  }
0x7e: {  	_ =	shalt  }
0x7f: {  	_ =	shalt  }
0x80: {  	_ =	shalt  }
0x81: {  	_ =	shalt  }
0x82: {  	_ =	shalt  }
0x83: {  	_ =	shalt  }
0x84: {  	_ =	shalt  }
0x85: {  	_ =	shalt  }
0x86: {  	_ =	shalt  }
0x87: {  	_ =	shalt  }
.Lfunc_end0:
.L_simem_size_0:
called_computation_lowered:
.L_overlay_start_0:
0x88: {  	s2 =	sld [smem:$0x3FD9]  }
0x89: {  	s3 =	sld [smem:$0x3FFE];
	_ =	sdelay $0x1  }
0x8a: {  	s1 =	srdreg.scid  }
0x8b: {  	s0 =	sand.u32 $0x1, s1  }
0x8c: {  	s17 =	sshll.u32 s0, $0xA;
	s2 =	sadd.s32 s3, s2  }
0x8d: {  	s2 =	sadd.s32 s2, s17  }
0x8e: {  	[smem:$0x3FB7] =	sst s2  }
0x8f: {  	_ = 	snop  }
0x90: {  	s2 =	sld [smem:$0x3FC9]  }
0x91: {  	s18 =	sld [smem:$0x3FC8]  }
0x92: {  	s4 =	sld [smem:$0x3FC5]  }
0x93: {  	s5 =	sld [smem:$0x3FC4]  }
0x94: {  	s6 =	sld [smem:$0x3FD0];
	(tm) =	ssettm $0x1  }
0x95: {  	s7 =	sld [smem:$0x3FFB];
	_ =	sdelay $0x3  }
0x96: {  	_ =	strace s7  }
0x97: {  	s7 =	sld [smem:$0x3FFC];
	_ =	sdelay $0x3  }
0x98: {  	_ =	strace s7  }
0x99: {  	s7 =	sld [smem:$0x3FFD];
	_ =	sdelay $0x3  }
0x9a: {  	_ =	strace s7  }
0x9b: {  	_ =	strace $0x8FFFFFFF  }
0x9c: {  	s19 =	sld [smem:$0x3FDB];
	_ =	sdelay $0x1  }
0x9d: {  	s8 =	simm.s32 $_scs_section_size  }
0x9e: {  	s9 =	simm.s32 $_size__tile_overlayer_lowered;
	s10 =	simm.s32 $_tile_overlayer_lowered  }
0x9f: {  	s22 =	simm.s32 $0x1BFF;
	s21 =	sshll.u32 s10, $0x1;
	s7 =	sadd.s32 s8, s19  }
0xa0: {  	s11 =	simm.s32 $0x0;
	s20 =	sshll.u32 s9, $0x1;
	s9 =	sadd.s32 s21, s7  }
0xa1: {  	[timem:s11], [sflag:s22] =	dma.local [hbm:s9], s20  }
0xa2: {  	_ =	swait.ge [sflag:s22], s20  }
0xa3: {  	s8 =	ssub.s32 $0x0, s20;
	[sflag:s22] =	ssyncset.done $0x0  }
0xa4: {  	[sflag:s22] =	ssyncadd.s32 s8;
	_ =	sdelay $0x1  }
0xa5: {  	s23 =	simm.s32 $0x1B8B  }
0xa6: {  	_ =	swait.ge [sflag:s23], $0x1  }
0xa7: {  	[sflag:s23] =	ssyncset.done $0x0  }
0xa8: {  	s25 =	simm.s32 $0x1B8E;
	s24 =	sld [smem:$0x3FFE];
	[sflag:s23] =	ssyncadd.s32 $0xFFFFFFFF  }
0xa9: {  	s26 =	simm.s32 $execute0_lowered;
	[smem:$0x3FD2] =	sst s25  }
0xaa: {  	s9 =	sshll.u32 s26, $0x1;
	_ =	strace $0x80000046;
	[dreg:$0x1] =	wrdreg $0xFFFFFFFF  }
0xab: {  	s28 =	simm.s32 $_size_execute0_lowered;
	s7 =	sadd.s32 s7, s9;
	[dreg:$0x0] =	wrdreg $0x0  }
0xac: {  	s9 =	sshll.u32 s28, $0x1;
	[dreg:$0x2] =	wrdreg s7  }
0xad: {  	[dreg:$0x3] =	wrdreg s9  }
0xae: {  	[dreg:$0x4] =	wrdreg $0xC0  }
0xaf: {  	_ =	task [dreg:s11], $0x5FFFF  }
0xb0: {  	[dreg:$0x1] =	wrdreg $0xFFFFFFFF  }
0xb1: {  	[dreg:$0x0] =	wrdreg $0x60  }
0xb2: {  	[dreg:$0x2] =	wrdreg s18  }
0xb3: {  	[dreg:$0x3] =	wrdreg s2  }
0xb4: {  	[dreg:$0x4] =	wrdreg s4  }
0xb5: {  	[dreg:$0x5] =	wrdreg s5  }
0xb6: {  	[dreg:$0x6] =	wrdreg s24  }
0xb7: {  	[dreg:$0x7] =	wrdreg s6  }
0xb8: {  	[dreg:$0x8] =	wrdreg $0x9  }
0xb9: {  	_ =	task.clear_ibuf [dreg:s11], $0x9FFFF;
	_ =	strace $0x90000046  }
0xba: {  	s29 =	simm.s32 $0x9;
	_ =	strace $0x80000048  }
0xbb: {  	_ =	swait.ge [sflag:s29], $0x1  }
0xbc: {  	[sflag:s29] =	ssyncadd.s32 $0xFFFFFFFF  }
0xbd: {  	_ =	strace $0x90000048  }
0xbe: {  	_ =	sfence  }
0xbf: {  	s30 =	sld [smem:$0x0];
	_ =	sdelay $0x2  }
0xc0: {  	s31 =	sshll.u32 s1, $0xD;
	s1 =	sshrl.u32 s1, $0x2  }
0xc1: {  	s3 =	sand.u32 $0x4000, s31;
	s1 =	sadd.s32 s1, s30  }
0xc2: {  	s0 =	sor.u32 s3, s0;
	s1 =	sshll.u32 s1, $0x11  }
0xc3: {  	s0 =	sor.u32 s1, s0  }
0xc4: {  	s0 =	sadd.s32 $0x8F2B, s0  }
0xc5: {  	[sflag:s0] =	ssyncadd.remote.s32 $0x1  }
0xc6: {  	_ =	sfence.sel $0xFFFF  }
0xc7: {  	[dreg:$0x0] =	wrdreg $0xFFFFFFFF;
	(pc) =	sbr.abs _section_cstart, $3  }
0xc8: {  	[dreg:$0x1] =	wrdreg $0xFFFFFFFF  }
0xc9: {  	_ =	task.clear_ibuf [dreg:s11], $0x2FFFF;
	_ =	strace $0x9FFFFFFF  }
0xca: {  	(tm) =	ssettm $0x7FFFFFFF  }
0xcb: {  	_ =	shalt  }
tec
execute0_lowered:
.L_overlay_start_1:
0x0: {  	(tag) =	ssettag $0x1  }
0x1: {  	s7 =	rddreg [dreg:$0x0]  }
0x2: {  	s1 =	rddreg [dreg:$0x1]  }
0x3: {  	s2 =	rddreg [dreg:$0x2]  }
0x4: {  	s4 =	rddreg [dreg:$0x3]  }
0x5: {  	s19 =	rddreg [dreg:$0x4]  }
0x6: {  	s3 =	srdreg.scid;
	s0 =	stileid.u32  }
0x7: {  	s5 =	rddreg [dreg:$0x5];
	s20 =	sand.u32 $0x1, s3;
	s8 =	sshll.u32 s0, $0x1  }
0x8: {  	s6 =	simm.s32 $0x0;
	s3 =	rddreg [dreg:$0x6];
	s21 =	sor.u32 s20, s8  }
0x9: {  	[smem:$0x7FF] =	sst s6;
	s8 =	sshll.u32 s21, $0x5  }
0xa: {  	_ =	strace $0x80000047;
	s8 =	sadd.s32 s7, s8;
	s7 =	simm.s32 $0x3  }
0xb: {  	[tilespmem:s6], [sflag:$0x3] =	stream.linear.gather [hbm4b:s8+s6], $0x100, $0x38;
	[tilespmem:$0x8980] =	vst v63  }
0xc: {  	_ =	swait.ge [sflag:s7], $0x100  }
0xd: {  	[sflag:s7] =	ssyncset.done $0x0  }
0xe: {  	s9 =	simm.s32 $0x80;
	s10 =	simm.s32 $0x100;
	[sflag:s7] =	ssyncadd.s32 $0xFFFFFF00  }
0xf: {  	[tilespmem:s10], [sflag:$0x1] =	stream.indirect.gather [hbm4b:s2+s9], $0x80, s6, s9, $0xb8;
	[tilespmem:$0x8980] =	vst v63  }
0x10: {  	s11 =	simm.s32 $0x4100;
	p0 =	sne.s32 s21, $0x0  }
0x11: {  	[tilespmem:s11], [sflag:$0x1] =	stream.indirect.gather [hbm4b:s2+s9], $0x80, s9, s9, $0xb8;
	[tilespmem:$0x8980] =	vst v63  }
0x12: {  	s12 =	simm.s32 @!p0 $0x0;
	s13 =	simm.s32 @!p0 $0x8100;
	s14 =	simm.s32 @!p0 $0x3  }
0x13: {  	[tilespmem:s13], [sflag:$0x3] =	stream.linear.gather @!p0 [hbm4b:s1+s12], $0x80, $0x38;
	[tilespmem:$0x8980] =	vst v63  }
0x14: {  	_ =	swait.ge @!p0 [sflag:s14], $0x80  }
0x15: {  	s15 =	simm.s32 @!p0 $0x2;
	[sflag:s14] =	ssyncset.done @!p0 $0x0  }
0x16: {  	s16 =	simm.s32 @!p0 $0x10;
	s17 =	simm.s32 @!p0 $0x8180;
	[sflag:s14] =	ssyncadd.s32 @!p0 $0xFFFFFF80  }
0x17: {  	[tilespmem:s17], [sflag:$0x2] =	stream.indirect.gather @!p0 [hbm4b:s4+s16], $0x80, s13, s16, $0xb8;
	[tilespmem:$0x8980] =	vst v63  }
0x18: {  	_ =	swait.ge @!p0 [sflag:s15], $0x800  }
0x19: {  	[sflag:s15] =	ssyncset.done @!p0 $0x0  }
0x1a: {  	[sflag:s15] =	ssyncadd.s32 @!p0 $0xFFFFF800  }
0x1b: {  	[hbm4b:s5+s12] =	stream.linear.scatter @!p0 [tilespmem:s17], [sflag:$0x3], $0x800, $0x38;
	[tilespmem:$0x8980] =	vst v63  }
0x1c: {  	_ =	swait.ge @!p0 [sflag:s14], $0x800  }
0x1d: {  	s20 =	ssub.s32 $0x2, s20;
	[sflag:s14] =	ssyncset.done @!p0 $0x0  }
0x1e: {  	s18 =	simm.s32 $0x1;
	s22 =	sshrl.u32 s20, $0x1;
	[sflag:s14] =	ssyncadd.s32 @!p0 $0xFFFFF800  }
0x1f: {  	s20 =	ssub.s32 s20, s22;
	_ =	swait.ge [sflag:s18], $0x4000  }
0x20: {  	s20 =	smax.u32 s20, $0x1;
	[sflag:s18] =	ssyncset.done $0x0  }
0x21: {  	s20 =	sadd.s32 $0xFFFFFFFF, s20;
	[sflag:s18] =	ssyncadd.s32 $0xFFFFC000  }
0x22: {  	s21 =	sshll.u32 s21, $0xC;
	p1 =	sne.s32 s20, $0x0;
	_ =	swait.ge [sflag:s18], $0x4000  }
.Ltmp0:
0x23: {  	s19 =	sadd.s32 s21, s19;
	[sflag:s18] =	ssyncset.done $0x0;
	(pc) =	sbr.rel @!p1 .LBB2_2-.Ltmp0, $4  }
0x24: {  	s19 =	sadd.s32 $0x2E00, s19;
	[sflag:s18] =	ssyncadd.s32 $0xFFFFC000  }
0x25: {  	[hbm4b:s19+s6] =	stream.linear.scatter [tilespmem:s10], [sflag:$0x3], $0x8000, $0x38;
	[tilespmem:$0x8980] =	vst v63  }
0x26: {  	_ =	swait.ge [sflag:s7], $0x8000  }
0x27: {  	[sflag:s7] =	ssyncset.done $0x0  }
.LBB2_1:
0x28: {  	s20 =	sadd.s32 $0xFFFFFFFF, s20;
	[sflag:s7] =	ssyncadd.s32 $0xFFFF8000  }
0x29: {  	[tilespmem:s6], [sflag:$0x3] =	stream.linear.gather [hbm4b:s8+s6], $0x100, $0x38;
	[tilespmem:$0x8980] =	vst v63  }
0x2a: {  	p1 =	sne.s32 s20, $0x0;
	_ =	swait.ge [sflag:s7], $0x100  }
0x2b: {  	[sflag:s7] =	ssyncset.done $0x0  }
0x2c: {  	[sflag:s7] =	ssyncadd.s32 $0xFFFFFF00  }
0x2d: {  	[tilespmem:s10], [sflag:$0x1] =	stream.indirect.gather [hbm4b:s2+s9], $0x80, s6, s9, $0xb8;
	[tilespmem:$0x8980] =	vst v63  }
0x2e: {  	_ = 	snop  }
0x2f: {  	[tilespmem:s11], [sflag:$0x1] =	stream.indirect.gather [hbm4b:s2+s9], $0x80, s9, s9, $0xb8;
	[tilespmem:$0x8980] =	vst v63  }
0x30: {  	_ = 	snop  }
0x31: {  	[tilespmem:s13], [sflag:$0x3] =	stream.linear.gather @!p0 [hbm4b:s1+s12], $0x80, $0x38;
	[tilespmem:$0x8980] =	vst v63  }
0x32: {  	_ =	swait.ge @!p0 [sflag:s14], $0x80  }
0x33: {  	[sflag:s14] =	ssyncset.done @!p0 $0x0  }
0x34: {  	[sflag:s14] =	ssyncadd.s32 @!p0 $0xFFFFFF80  }
0x35: {  	[tilespmem:s17], [sflag:$0x2] =	stream.indirect.gather @!p0 [hbm4b:s4+s16], $0x80, s13, s16, $0xb8;
	[tilespmem:$0x8980] =	vst v63  }
0x36: {  	_ =	swait.ge @!p0 [sflag:s15], $0x800  }
0x37: {  	[sflag:s15] =	ssyncset.done @!p0 $0x0  }
0x38: {  	[sflag:s15] =	ssyncadd.s32 @!p0 $0xFFFFF800  }
0x39: {  	[hbm4b:s5+s12] =	stream.linear.scatter @!p0 [tilespmem:s17], [sflag:$0x3], $0x800, $0x38;
	[tilespmem:$0x8980] =	vst v63  }
0x3a: {  	_ =	swait.ge @!p0 [sflag:s14], $0x800  }
0x3b: {  	[sflag:s14] =	ssyncset.done @!p0 $0x0  }
0x3c: {  	[sflag:s14] =	ssyncadd.s32 @!p0 $0xFFFFF800  }
0x3d: {  	_ =	swait.ge [sflag:s18], $0x4000  }
0x3e: {  	[sflag:s18] =	ssyncset.done $0x0  }
0x3f: {  	[sflag:s18] =	ssyncadd.s32 $0xFFFFC000  }
0x40: {  	_ =	swait.ge [sflag:s18], $0x4000  }
.Ltmp1:
0x41: {  	[sflag:s18] =	ssyncset.done $0x0;
	(pc) =	sbr.rel @p1 .LBB2_1-.Ltmp1, $4  }
0x42: {  	[sflag:s18] =	ssyncadd.s32 $0xFFFFC000  }
0x43: {  	[hbm4b:s19+s6] =	stream.linear.scatter [tilespmem:s10], [sflag:$0x3], $0x8000, $0x38;
	[tilespmem:$0x8980] =	vst v63  }
0x44: {  	_ =	swait.ge [sflag:s7], $0x8000  }
0x45: {  	[sflag:s7] =	ssyncset.done $0x0  }
.LBB2_2:
0x46: {  	[sflag:s7] =	ssyncadd.s32 $0xFFFF8000  }
0x47: {  	_ =	sfence.sel $0x180000  }
0x48: {  	[bflag:$0x0] =	sbarrier.arrive $0xFFFF  }
0x49: {  	p0 =	sne.s32 s0, $0x0;
	_ =	strace $0x90000047  }
0x4a: {  	s0 =	sadd.s32 @!p0 $0x100000, s3;
	[bflag:$0x2] =	sbarrier.arrive $0xFFFF  }
0x4b: {  	[sflag:s0] =	ssyncadd.tile.s32 @!p0 $0x1;
	_ =	shalt  }
.Lfunc_end2:
_tile_overlayer_lowered:
.L_overlay_start_2:
0x4c: {  	(tag) =	ssettag $0x2  }
0x4d: {  	s0 =	rddreg [dreg:$0x0];
	s2 =	stileid.u32  }
0x4e: {  	s1 =	rddreg [dreg:$0x1];
	p0 =	sne.s32 s2, $0x0  }
0x4f: {  	s3 =	rddreg [dreg:$0x2];
	[bflag:$0x3] =	sbarrier.arrive $0xFFFF;
	s2 =	simm.s32 @!p0 $0x1C03  }
0x50: {  	[timem:s3], [sflag:s2] =	dma.local @!p0 [hbm:s0], s1  }
0x51: {  	s0 =	simm.s32 @!p0 $0x3  }
0x52: {  	_ =	swait.ge @!p0 [sflag:s0], s1  }
0x53: {  	s1 =	ssub.s32 @!p0 $0x0, s1;
	[sflag:s0] =	ssyncset.done @!p0 $0x0  }
0x54: {  	[sflag:s0] =	ssyncadd.s32 @!p0 s1  }
0x55: {  	[bflag:$0x3] =	sbarrier.arrive $0xFFFF  }
0x56: {  	_ =	shalt  }

// kernel: kernel.9.cloned.1.call-start
scs
__scs_entry_jumppad:
0x0: {  	(pc) =	sbr.rel $0x88, $3  }
0x1: {  	(tag) =	ssettag $0x0;
	lr =	simm.s32 $0x1  }
0x2: {  	[smem:$0x3F90] =	sst lr;
	_ =	strace $0xD0000000  }
0x3: {  	_ = 	snop  }
0x4: {  	_ = 	snop  }
0x5: {  	_ = 	snop  }
0x6: {  	_ = 	snop  }
0x7: {  	_ = 	snop  }
__scs_overlays_trampoline_lowered:
0x8: {  	[smem:$0x3F9F] =	sst s0  }
0x9: {  	[smem:$0x3FA0] =	sst s1  }
0xa: {  	[smem:$0x3FA1] =	sst s2  }
0xb: {  	[smem:$0x3FA2] =	sst s3  }
0xc: {  	[smem:$0x3FA3] =	sst s4  }
0xd: {  	[smem:$0x3FA4] =	sst s5  }
0xe: {  	[smem:$0x3FA5] =	sst s6  }
0xf: {  	[smem:$0x3FA6] =	sst s7  }
0x10: {  	[smem:$0x3FA7] =	sst s8  }
0x11: {  	[smem:$0x3FA8] =	sst s9;
	s0 =	simm.s32 @!p0 $0x0  }
0x12: {  	s1 =	sld [smem:$0x3F8E];
	s0 =	simm.s32 @p0 $0x1  }
0x13: {  	[smem:$0x3FA9] =	sst s0;
	s0 =	simm.s32 @!p1 $0x0  }
0x14: {  	s2 =	sld [smem:$0x3F8D];
	s0 =	simm.s32 @p1 $0x1  }
0x15: {  	[smem:$0x3FAA] =	sst s0;
	s0 =	simm.s32 @!p2 $0x0  }
0x16: {  	s3 =	sld [smem:$0x3FDB];
	s0 =	simm.s32 @p2 $0x1  }
0x17: {  	s4 =	simm.s32 $0x1BF5;
	[smem:$0x3FAC] =	sst s0  }
0x18: {  	s0 =	sld [smem:$0x3F8F];
	_ =	swait.ge [sflag:s4], $0x0  }
0x19: {  	s7 =	sld [smem:$0x3F90]  }
0x1a: {  	s8 =	sadd.s32 $0xFFFFE003, lr  }
0x1b: {  	s9 =	sadd.s32 $0xFFFFFEF7, lr;
	s5 =	simm.s32 $0xFFFFFFFF;
	p2 =	slt.u32 s8, $0xFFFFF086  }
0x1c: {  	p1 =	slt.u32 s9, $0xF7A;
	s5 =	simm.s32 @!p2 $0x0  }
0x1d: {  	s5 =	simm.s32 @p1 $0x1;
	p0 =	seq.s32 s7, s2  }
0x1e: {  	s7 =	smul.u32 @!p0 $0xF7A, s2;
	p2 =	seq.s32 @!p0 s5, $0x0  }
0x1f: {  	s9 =	smul.u32 $0xF7A, s1;
	s8 =	simm.s32 @!p0 $0x1BF5;
	p2 =	por !p2, p0  }
0x20: {  	[sflag:s8] =	ssyncset.s32 @!p0 $0xFFFFF086;
	s6 =	sadd.s32 @!p0 s3, s7;
	s7 =	simm.s32 @!p0 $0x108  }
0x21: {  	s3 =	sadd.s32 s3, s9;
	s6 =	sadd.s32 @!p0 $0x88, s6;
	s7 =	simm.s32 @p2 $0x1082  }
0x22: {  	[simem:s7], [sflag:s8] =	dma.local @!p0 [hbm:s6], $0xF7A  }
0x23: {  	s9 =	sor.u32 $0xD0000000, s2;
	s6 =	simm.s32 $0x108;
	_ =	swait.ge @!p0 [sflag:s8], $0x0  }
0x24: {  	s3 =	sadd.s32 $0x88, s3;
	s6 =	simm.s32 @!p1 $0x1082;
	[sflag:s4] =	ssyncset.s32 $0xFFFFF086  }
0x25: {  	[simem:s6], [sflag:s4] =	dma.local [hbm:s3], $0xF7A  }
0x26: {  	[smem:$0x3F90] =	sst s1;
	(tag) =	ssettag s2;
	_ =	strace s9  }
0x27: {  	s1 =	sld [smem:$0x3FA0]  }
0x28: {  	s2 =	sld [smem:$0x3FA1]  }
0x29: {  	s4 =	sld [smem:$0x3FA3]  }
0x2a: {  	p0 =	seq.s32 s5, $0x0;
	s5 =	sld [smem:$0x3FA4]  }
0x2b: {  	s6 =	sld [smem:$0x3FA5]  }
0x2c: {  	s7 =	sld [smem:$0x3FA6]  }
0x2d: {  	s3 =	simm.s32 $0x108;
	s8 =	sld [smem:$0x3FA7]  }
0x2e: {  	s3 =	simm.s32 @!p0 $0x1082;
	s9 =	sld [smem:$0x3FA8]  }
0x2f: {  	lr =	sadd.s32 s0, s3;
	s0 =	sld [smem:$0x3F9F]  }
0x30: {  	s3 =	sld [smem:$0x3FA2]  }
0x31: {  	[smem:$0x3FAB] =	sst s10  }
0x32: {  	s10 =	sld [smem:$0x3FA9];
	_ =	sdelay $0x3  }
0x33: {  	p0 =	seq.s32 s10, $0x1;
	s10 =	sld [smem:$0x3FAB];
	_ =	sdelay $0x3  }
0x34: {  	[smem:$0x3FAB] =	sst s10  }
0x35: {  	s10 =	sld [smem:$0x3FAA];
	_ =	sdelay $0x3  }
0x36: {  	p1 =	seq.s32 s10, $0x1;
	s10 =	sld [smem:$0x3FAB];
	_ =	sdelay $0x3  }
0x37: {  	[smem:$0x3FAB] =	sst s10  }
0x38: {  	s10 =	sld [smem:$0x3FAC]  }
0x39: {  	_ = 	snop;
	(pc) =	sbr.ind lr, $3  }
0x3a: {  	_ = 	snop  }
0x3b: {  	_ = 	snop  }
0x3c: {  	p2 =	seq.s32 s10, $0x1;
	s10 =	sld [smem:$0x3FAB]  }
0x3d: {  	_ =	shalt  }
0x3e: {  	_ =	shalt  }
0x3f: {  	_ =	shalt  }
0x40: {  	_ =	shalt  }
0x41: {  	_ =	shalt  }
0x42: {  	_ =	shalt  }
0x43: {  	_ =	shalt  }
0x44: {  	_ =	shalt  }
0x45: {  	_ =	shalt  }
0x46: {  	_ =	shalt  }
0x47: {  	_ =	shalt  }
0x48: {  	_ =	shalt  }
0x49: {  	_ =	shalt  }
0x4a: {  	_ =	shalt  }
0x4b: {  	_ =	shalt  }
0x4c: {  	_ =	shalt  }
0x4d: {  	_ =	shalt  }
0x4e: {  	_ =	shalt  }
0x4f: {  	_ =	shalt  }
0x50: {  	_ =	shalt  }
0x51: {  	_ =	shalt  }
0x52: {  	_ =	shalt  }
0x53: {  	_ =	shalt  }
0x54: {  	_ =	shalt  }
0x55: {  	_ =	shalt  }
0x56: {  	_ =	shalt  }
0x57: {  	_ =	shalt  }
0x58: {  	_ =	shalt  }
0x59: {  	_ =	shalt  }
0x5a: {  	_ =	shalt  }
0x5b: {  	_ =	shalt  }
0x5c: {  	_ =	shalt  }
0x5d: {  	_ =	shalt  }
0x5e: {  	_ =	shalt  }
0x5f: {  	_ =	shalt  }
0x60: {  	_ =	shalt  }
0x61: {  	_ =	shalt  }
0x62: {  	_ =	shalt  }
0x63: {  	_ =	shalt  }
0x64: {  	_ =	shalt  }
0x65: {  	_ =	shalt  }
0x66: {  	_ =	shalt  }
0x67: {  	_ =	shalt  }
0x68: {  	_ =	shalt  }
0x69: {  	_ =	shalt  }
0x6a: {  	_ =	shalt  }
0x6b: {  	_ =	shalt  }
0x6c: {  	_ =	shalt  }
0x6d: {  	_ =	shalt  }
0x6e: {  	_ =	shalt  }
0x6f: {  	_ =	shalt  }
0x70: {  	_ =	shalt  }
0x71: {  	_ =	shalt  }
0x72: {  	_ =	shalt  }
0x73: {  	_ =	shalt  }
0x74: {  	_ =	shalt  }
0x75: {  	_ =	shalt  }
0x76: {  	_ =	shalt  }
0x77: {  	_ =	shalt  }
0x78: {  	_ =	shalt  }
0x79: {  	_ =	shalt  }
0x7a: {  	_ =	shalt  }
0x7b: {  	_ =	shalt  }
0x7c: {  	_ =	shalt  }
0x7d: {  	_ =	shalt  }
0x7e: {  	_ =	shalt  }
0x7f: {  	_ =	shalt  }
0x80: {  	_ =	shalt  }
0x81: {  	_ =	shalt  }
0x82: {  	_ =	shalt  }
0x83: {  	_ =	shalt  }
0x84: {  	_ =	shalt  }
0x85: {  	_ =	shalt  }
0x86: {  	_ =	shalt  }
0x87: {  	_ =	shalt  }
.Lfunc_end0:
.L_simem_size_0:
called_computation.1_lowered:
.L_overlay_start_0:
0x88: {  	s2 =	sld [smem:$0x3FD9]  }
0x89: {  	s3 =	sld [smem:$0x3FFE];
	_ =	sdelay $0x1  }
0x8a: {  	s1 =	srdreg.scid  }
0x8b: {  	s0 =	sand.u32 $0x1, s1  }
0x8c: {  	s17 =	sshll.u32 s0, $0xA;
	s2 =	sadd.s32 s3, s2  }
0x8d: {  	s2 =	sadd.s32 s2, s17  }
0x8e: {  	[smem:$0x3FB7] =	sst s2  }
0x8f: {  	_ = 	snop  }
0x90: {  	s18 =	sld [smem:$0x3FC8]  }
0x91: {  	s4 =	sld [smem:$0x3FC5];
	(tm) =	ssettm $0x1  }
0x92: {  	s19 =	sld [smem:$0x3FFB];
	_ =	sdelay $0x3  }
0x93: {  	_ =	strace s19  }
0x94: {  	s2 =	sld [smem:$0x3FFC];
	_ =	sdelay $0x3  }
0x95: {  	_ =	strace s2  }
0x96: {  	s2 =	sld [smem:$0x3FFD];
	_ =	sdelay $0x3  }
0x97: {  	_ =	strace s2  }
0x98: {  	_ =	strace $0x8FFFFFFF  }
0x99: {  	s20 =	sld [smem:$0x3FDB];
	_ =	sdelay $0x1  }
0x9a: {  	s5 =	simm.s32 $_scs_section_size  }
0x9b: {  	s6 =	simm.s32 $_size__tile_overlayer_lowered;
	s7 =	simm.s32 $_tile_overlayer_lowered  }
0x9c: {  	s8 =	simm.s32 $0x1BFF;
	s21 =	sshll.u32 s7, $0x1;
	s5 =	sadd.s32 s5, s20  }
0x9d: {  	s22 =	simm.s32 $0x0;
	s6 =	sshll.u32 s6, $0x1;
	s7 =	sadd.s32 s21, s5  }
0x9e: {  	[timem:s22], [sflag:s8] =	dma.local [hbm:s7], s6  }
0x9f: {  	_ =	swait.ge [sflag:s8], s6  }
0xa0: {  	s6 =	ssub.s32 $0x0, s6;
	[sflag:s8] =	ssyncset.done $0x0  }
0xa1: {  	[sflag:s8] =	ssyncadd.s32 s6;
	_ =	sdelay $0x1  }
0xa2: {  	s23 =	simm.s32 $0x1B8B  }
0xa3: {  	_ =	swait.ge [sflag:s23], $0x1  }
0xa4: {  	[sflag:s23] =	ssyncset.done $0x0  }
0xa5: {  	[sflag:s23] =	ssyncadd.s32 $0xFFFFFFFF  }
0xa6: {  	s6 =	sld [smem:$0x0]  }
0xa7: {  	s7 =	sand.u32 $0xFFFFFFFE, s1  }
0xa8: {  	p0 =	sne.s32 s1, s7  }
0xa9: {  	s7 =	sshll.u32 @p0 s7, $0xE  }
0xaa: {  	s7 =	sadd.s32 @p0 $0x11B8D, s7;
	s8 =	sshll.u32 @p0 s6, $0x11  }
0xab: {  	s7 =	sor.u32 @p0 s8, s7  }
0xac: {  	[sflag:s7] =	ssyncadd.remote.s32 @p0 $0x1;
	_ =	sdelay $0x1  }
0xad: {  	s7 =	simm.s32 @p0 $0x1B8D  }
0xae: {  	_ =	swait.eq @p0 [sflag:s7], $0x1  }
0xaf: {  	[sflag:s7] =	ssyncadd.s32 @p0 $0xFFFFFFFF  }
0xb0: {  	s8 =	sshll.u32 @!p0 s1, $0xE  }
0xb1: {  	s8 =	sor.u32 @!p0 $0x4000, s8;
	s7 =	simm.s32 @!p0 $0x1B8D  }
0xb2: {  	s6 =	sshll.u32 @!p0 s6, $0x11;
	s8 =	sadd.s32 @!p0 $0x11B8D, s8;
	_ =	swait.eq @!p0 [sflag:s7], $0x1  }
0xb3: {  	s6 =	sor.u32 @!p0 s6, s8;
	[sflag:s7] =	ssyncadd.s32 @!p0 $0xFFFFFFFF  }
0xb4: {  	s25 =	simm.s32 $0x1B8E;
	s24 =	sld [smem:$0x3FFE];
	[sflag:s6] =	ssyncadd.remote.s32 @!p0 $0x1  }
0xb5: {  	s26 =	simm.s32 $execute0_lowered;
	[smem:$0x3FD2] =	sst s25  }
0xb6: {  	s7 =	sshll.u32 s26, $0x1;
	_ =	strace $0x80000049;
	[dreg:$0x1] =	wrdreg $0xFFFFFFFF  }
0xb7: {  	s28 =	simm.s32 $_size_execute0_lowered;
	s5 =	sadd.s32 s5, s7;
	[dreg:$0x0] =	wrdreg $0x0  }
0xb8: {  	s7 =	sshll.u32 s28, $0x1;
	[dreg:$0x2] =	wrdreg s5  }
0xb9: {  	[dreg:$0x3] =	wrdreg s7  }
0xba: {  	[dreg:$0x4] =	wrdreg $0xC0  }
0xbb: {  	_ =	task [dreg:s22], $0x5FFFF  }
0xbc: {  	[dreg:$0x1] =	wrdreg $0xFFFFFFFF  }
0xbd: {  	[dreg:$0x0] =	wrdreg $0x60  }
0xbe: {  	[dreg:$0x2] =	wrdreg s18  }
0xbf: {  	[dreg:$0x3] =	wrdreg s4  }
0xc0: {  	[dreg:$0x4] =	wrdreg s24  }
0xc1: {  	[dreg:$0x5] =	wrdreg $0xA  }
0xc2: {  	_ =	task.clear_ibuf [dreg:s22], $0x6FFFF;
	_ =	strace $0x90000049  }
0xc3: {  	s29 =	simm.s32 $0xA;
	_ =	strace $0x8000004B  }
0xc4: {  	_ =	swait.ge [sflag:s29], $0x1  }
0xc5: {  	[sflag:s29] =	ssyncadd.s32 $0xFFFFFFFF  }
0xc6: {  	_ =	strace $0x9000004B  }
0xc7: {  	_ =	sfence  }
0xc8: {  	s30 =	sld [smem:$0x0];
	_ =	sdelay $0x2  }
0xc9: {  	s31 =	sshll.u32 s1, $0xD;
	s1 =	sshrl.u32 s1, $0x2  }
0xca: {  	s4 =	sand.u32 $0x4000, s31;
	s1 =	sadd.s32 s1, s30  }
0xcb: {  	s0 =	sor.u32 s4, s0;
	s1 =	sshll.u32 s1, $0x11  }
0xcc: {  	s0 =	sor.u32 s1, s0  }
0xcd: {  	s0 =	sadd.s32 $0x8F2B, s0  }
0xce: {  	[sflag:s0] =	ssyncadd.remote.s32 $0x1  }
0xcf: {  	_ =	sfence.sel $0xFFFF  }
0xd0: {  	[dreg:$0x0] =	wrdreg $0xFFFFFFFF;
	(pc) =	sbr.abs _section_cstart, $3  }
0xd1: {  	[dreg:$0x1] =	wrdreg $0xFFFFFFFF  }
0xd2: {  	_ =	task.clear_ibuf [dreg:s22], $0x2FFFF;
	_ =	strace $0x9FFFFFFF  }
0xd3: {  	(tm) =	ssettm $0x7FFFFFFF  }
tec
execute0_lowered:
.L_overlay_start_1:
0x0: {  	(tag) =	ssettag $0x1  }
0x1: {  	s4 =	rddreg [dreg:$0x0]  }
0x2: {  	s1 =	srdreg.scid;
	s0 =	stileid.u32  }
0x3: {  	s2 =	rddreg [dreg:$0x1];
	s10 =	sand.u32 $0x1, s1;
	s29 =	sshll.u32 s0, $0x1  }
0x4: {  	s11 =	rddreg [dreg:$0x2];
	s12 =	sor.u32 s10, s29  }
0x5: {  	s3 =	simm.s32 $0x0;
	s1 =	rddreg [dreg:$0x3];
	s5 =	sshll.u32 s12, $0x5  }
0x6: {  	[smem:$0x7FF] =	sst s3;
	s4 =	sadd.s32 s5, s4  }
0x7: {  	_ =	strace $0x8000004A;
	s5 =	sadd.s32 $0x400, s4;
	s4 =	simm.s32 $0x2  }
0x8: {  	[tilespmem:s3], [sflag:$0x2] =	stream.linear.gather [hbm4b:s5+s3], $0x100, $0x38;
	[tilespmem:$0x8100] =	vst v63  }
0x9: {  	_ =	swait.ge [sflag:s4], $0x100  }
0xa: {  	[sflag:s4] =	ssyncset.done $0x0  }
0xb: {  	s6 =	simm.s32 $0x80;
	s7 =	simm.s32 $0x100;
	[sflag:s4] =	ssyncadd.s32 $0xFFFFFF00  }
0xc: {  	[tilespmem:s7], [sflag:$0x1] =	stream.indirect.gather [hbm4b:s2+s6], $0x80, s3, s6, $0xb8;
	[tilespmem:$0x8100] =	vst v63  }
0xd: {  	s8 =	simm.s32 $0x4100;
	s9 =	simm.s32 $0x1;
	s10 =	ssub.s32 $0x2, s10  }
0xe: {  	[tilespmem:s8], [sflag:$0x1] =	stream.indirect.gather [hbm4b:s2+s6], $0x80, s6, s6, $0xb8;
	[tilespmem:$0x8100] =	vst v63  }
0xf: {  	s13 =	sshrl.u32 s10, $0x1;
	_ =	swait.ge [sflag:s9], $0x4000  }
0x10: {  	s30 =	ssub.s32 s10, s13;
	[sflag:s9] =	ssyncset.done $0x0  }
0x11: {  	s31 =	smax.u32 s30, $0x1;
	[sflag:s9] =	ssyncadd.s32 $0xFFFFC000  }
0x12: {  	s12 =	sshll.u32 s12, $0xC;
	p0 =	sne.s32 s31, $0x1;
	_ =	swait.ge [sflag:s9], $0x4000  }
.Ltmp0:
0x13: {  	s11 =	sadd.s32 s12, s11;
	[sflag:s9] =	ssyncset.done $0x0;
	(pc) =	sbr.rel @!p0 .LBB2_2-.Ltmp0, $4  }
0x14: {  	s10 =	sadd.s32 $0x22E00, s11;
	[sflag:s9] =	ssyncadd.s32 $0xFFFFC000  }
0x15: {  	[hbm4b:s10+s3] =	stream.linear.scatter [tilespmem:s7], [sflag:$0x2], $0x8000, $0x38;
	[tilespmem:$0x8100] =	vst v63  }
0x16: {  	_ =	swait.ge [sflag:s4], $0x8000  }
0x17: {  	s11 =	sadd.s32 $0xFFFFFFFF, s31;
	[sflag:s4] =	ssyncset.done $0x0  }
.LBB2_1:
0x18: {  	p0 =	sne.s32 s11, $0x1;
	s11 =	sadd.s32 $0xFFFFFFFF, s11;
	[sflag:s4] =	ssyncadd.s32 $0xFFFF8000  }
0x19: {  	[tilespmem:s3], [sflag:$0x2] =	stream.linear.gather [hbm4b:s5+s3], $0x100, $0x38;
	[tilespmem:$0x8100] =	vst v63  }
0x1a: {  	_ =	swait.ge [sflag:s4], $0x100  }
0x1b: {  	[sflag:s4] =	ssyncset.done $0x0  }
0x1c: {  	[sflag:s4] =	ssyncadd.s32 $0xFFFFFF00  }
0x1d: {  	[tilespmem:s7], [sflag:$0x1] =	stream.indirect.gather [hbm4b:s2+s6], $0x80, s3, s6, $0xb8;
	[tilespmem:$0x8100] =	vst v63  }
0x1e: {  	_ = 	snop  }
0x1f: {  	[tilespmem:s8], [sflag:$0x1] =	stream.indirect.gather [hbm4b:s2+s6], $0x80, s6, s6, $0xb8;
	[tilespmem:$0x8100] =	vst v63  }
0x20: {  	_ =	swait.ge [sflag:s9], $0x4000  }
0x21: {  	[sflag:s9] =	ssyncset.done $0x0  }
0x22: {  	[sflag:s9] =	ssyncadd.s32 $0xFFFFC000  }
0x23: {  	_ =	swait.ge [sflag:s9], $0x4000  }
.Ltmp1:
0x24: {  	[sflag:s9] =	ssyncset.done $0x0;
	(pc) =	sbr.rel @p0 .LBB2_1-.Ltmp1, $4  }
0x25: {  	[sflag:s9] =	ssyncadd.s32 $0xFFFFC000  }
0x26: {  	[hbm4b:s10+s3] =	stream.linear.scatter [tilespmem:s7], [sflag:$0x2], $0x8000, $0x38;
	[tilespmem:$0x8100] =	vst v63  }
0x27: {  	_ =	swait.ge [sflag:s4], $0x8000  }
0x28: {  	[sflag:s4] =	ssyncset.done $0x0  }
.LBB2_2:
0x29: {  	[sflag:s4] =	ssyncadd.s32 $0xFFFF8000  }
0x2a: {  	_ =	sfence.sel $0x180000  }
0x2b: {  	[bflag:$0x0] =	sbarrier.arrive $0xFFFF  }
0x2c: {  	p0 =	sne.s32 s0, $0x0;
	_ =	strace $0x9000004A  }
0x2d: {  	s0 =	sadd.s32 @!p0 $0x100000, s1;
	[bflag:$0x2] =	sbarrier.arrive $0xFFFF  }
0x2e: {  	[sflag:s0] =	ssyncadd.tile.s32 @!p0 $0x1;
	_ =	shalt  }
.Lfunc_end2:
_tile_overlayer_lowered:
.L_overlay_start_2:
0x2f: {  	(tag) =	ssettag $0x2  }
0x30: {  	s0 =	rddreg [dreg:$0x0];
	s2 =	stileid.u32  }
0x31: {  	s1 =	rddreg [dreg:$0x1];
	p0 =	sne.s32 s2, $0x0  }
0x32: {  	s3 =	rddreg [dreg:$0x2];
	[bflag:$0x3] =	sbarrier.arrive $0xFFFF;
	s2 =	simm.s32 @!p0 $0x1C02  }
0x33: {  	[timem:s3], [sflag:s2] =	dma.local @!p0 [hbm:s0], s1  }
0x34: {  	s0 =	simm.s32 @!p0 $0x2  }
0x35: {  	_ =	swait.ge @!p0 [sflag:s0], s1  }
0x36: {  	s1 =	ssub.s32 @!p0 $0x0, s1;
	[sflag:s0] =	ssyncset.done @!p0 $0x0  }
0x37: {  	[sflag:s0] =	ssyncadd.s32 @!p0 s1  }
0x38: {  	[bflag:$0x3] =	sbarrier.arrive $0xFFFF  }
0x39: {  	_ =	shalt  }

</sc_bundles>
